<compile_context>
chip_gen: v7x
topology: tpu7x:2x2x1
jax: 0.10.2.dev20260603
libtpu: 0.0.44.dev20260713+nightly
codegen_flags: <defaults>
</compile_context>

<pallas_src>
import functools

import jax
import jax.numpy as jnp
from jax import lax
from jax.experimental import pallas as pl
from jax.experimental.pallas import tpu as pltpu
from jax.experimental.pallas import tpu_sc as plsc

_D = 14336
_V = 128
_ROWS = 8192
_NC = 2
_NS = 16
_NW = _NC * _NS
_RPW = _ROWS // _NW
_NSEM = 16


def _sc_body(table_hbm, idx_hbm, out_hbm, idx_v, table_sp, *sems):
    sid = lax.axis_index("s")
    wid = sid * _NC + lax.axis_index("c")
    base = wid * _RPW

    rows_per_tile = _V // _NS
    pltpu.sync_copy(table_hbm.at[pl.ds(sid * rows_per_tile, rows_per_tile)],
                    table_sp.at[pl.ds(sid * rows_per_tile, rows_per_tile)])
    pltpu.sync_copy(idx_hbm.at[pl.ds(base, _RPW)], idx_v)
    plsc.subcore_barrier()

    def start(v, r, k):
        pltpu.make_async_copy(
            table_sp.at[pl.ds(v, 1)],
            out_hbm.at[pl.ds(base + r, 1)], sems[k]).start()

    def wait(k):
        pltpu.make_async_copy(
            table_sp.at[pl.ds(0, 1)],
            out_hbm.at[pl.ds(base, 1)], sems[k]).wait()

    vec0 = idx_v[pl.ds(0, _NSEM)]
    for k in range(_NSEM):
        start(vec0[k], k, k)

    def body(j, carry):
        vec = idx_v[pl.ds(_NSEM * (j + 1), _NSEM)]
        for k in range(_NSEM):
            wait(k)
            start(vec[k], _NSEM * (j + 1) + k, k)
        return carry

    lax.fori_loop(0, _RPW // _NSEM - 1, body, 0)

    for k in range(_NSEM):
        wait(k)


@functools.partial(
    pl.kernel,
    mesh=plsc.VectorSubcoreMesh(core_axis_name="c", subcore_axis_name="s"),
    out_type=jax.ShapeDtypeStruct((_ROWS, _D), jnp.float32),
    scratch_types=(
        [pltpu.VMEM((_RPW,), jnp.int32),
         pltpu.VMEM_SHARED((_V, _D), jnp.float32)]
        + [pltpu.SemaphoreType.DMA] * _NSEM
    ),
)
def _sc_gather(table_hbm, idx_hbm, out_hbm, *scratch):
    _sc_body(table_hbm, idx_hbm, out_hbm, *scratch)


@jax.jit
def kernel(prefix, table):
    b, s = prefix.shape
    idx = prefix.reshape(_ROWS).astype(jnp.int32)
    out = _sc_gather(table, idx)
    return out.reshape(b, s, _D)

# --- scband reference (transcript-rebuilt; emitter-appended) ---
"""Pipeline reference for scband-prefix-encoder-11484742549775 (READ-ONLY COPY).

The authoritative reference and input builder live on the scoring server;
editing this copy changes nothing except your own understanding.
"""

import jax, jax.numpy as jnp
import numpy as np

PRE_SEQ_LEN = 128
NUM_LAYERS = 28
KV_CHANNELS = 128
MQ_GROUPS = 2
EMBED_DIM = NUM_LAYERS * KV_CHANNELS * MQ_GROUPS * 2  # 14336
BATCH = 64

def setup_inputs(seed: int = 0) -> dict:
    key = jax.random.key(seed)
    k1, k2 = jax.random.split(key)
    prefix = jax.random.randint(k1, (BATCH, PRE_SEQ_LEN), 0, PRE_SEQ_LEN, dtype=jnp.int64 if jax.config.jax_enable_x64 else jnp.int32)
    table = jax.random.normal(k2, (PRE_SEQ_LEN, EMBED_DIM), dtype=jnp.float32) * 0.02
    return {"prefix": prefix, "table": table}

def reference(prefix, table):
    # PrefixEncoder with prefix_projection=False: a single embedding lookup
    # output: [batch, pre_seq_len, num_layers * kv_channels * multi_query_group_num * 2]
    return jnp.take(table, prefix, axis=0)

if __name__ == "__main__":
    import jax
    _d = setup_inputs()
    print(jax.jit(kernel)(*tuple(_d.values())))

</pallas_src>

<mosaic_0001>
#map = affine_map<(d0, d1) -> (0, 0)>
#map1 = affine_map<(d0, d1) -> (0)>
module attributes {stable_mosaic.version = 14 : i64} {
  func.func @_sc_gather(%arg0: i32, %arg1: i32, %arg2: memref<128x14336xf32, #tpu.memory_space<hbm>>, %arg3: memref<8192xi32, #tpu.memory_space<hbm>>, %arg4: memref<8192x14336xf32, #tpu.memory_space<hbm>>, %arg5: memref<256xi32, #tpu.memory_space<vmem>>, %arg6: memref<128x14336xf32, #tpu.memory_space<vmem_shared>>, %arg7: memref<!tpu.dma_semaphore, #tpu.memory_space<semaphore_mem>>, %arg8: memref<!tpu.dma_semaphore, #tpu.memory_space<semaphore_mem>>, %arg9: memref<!tpu.dma_semaphore, #tpu.memory_space<semaphore_mem>>, %arg10: memref<!tpu.dma_semaphore, #tpu.memory_space<semaphore_mem>>, %arg11: memref<!tpu.dma_semaphore, #tpu.memory_space<semaphore_mem>>, %arg12: memref<!tpu.dma_semaphore, #tpu.memory_space<semaphore_mem>>, %arg13: memref<!tpu.dma_semaphore, #tpu.memory_space<semaphore_mem>>, %arg14: memref<!tpu.dma_semaphore, #tpu.memory_space<semaphore_mem>>, %arg15: memref<!tpu.dma_semaphore, #tpu.memory_space<semaphore_mem>>, %arg16: memref<!tpu.dma_semaphore, #tpu.memory_space<semaphore_mem>>, %arg17: memref<!tpu.dma_semaphore, #tpu.memory_space<semaphore_mem>>, %arg18: memref<!tpu.dma_semaphore, #tpu.memory_space<semaphore_mem>>, %arg19: memref<!tpu.dma_semaphore, #tpu.memory_space<semaphore_mem>>, %arg20: memref<!tpu.dma_semaphore, #tpu.memory_space<semaphore_mem>>, %arg21: memref<!tpu.dma_semaphore, #tpu.memory_space<semaphore_mem>>, %arg22: memref<!tpu.dma_semaphore, #tpu.memory_space<semaphore_mem>>) attributes {dimension_semantics = [#tpu.dimension_semantics<core_parallel>, #tpu.dimension_semantics<subcore_parallel>], iteration_bounds = array<i64: 2, 16>, scalar_prefetch = 0 : i64, scratch_operands = 18 : i64, tpu.core_type = #tpu.core_type<sc_vector_subcore>, window_params = [{transform_indices = #map}, {transform_indices = #map1}, {transform_indices = #map}]} {
    %mul3A = arith.constant 2 : i32
    %mul3A_0 = arith.muli %arg1, %mul3A : i32
    %add3A = arith.addi %mul3A_0, %arg0 : i32
    %mul3A_1 = arith.constant 256 : i32
    %mul3A_2 = arith.muli %add3A, %mul3A_1 : i32
    %mul3A_3 = arith.constant 8 : i32
    %mul3A_4 = arith.muli %arg1, %mul3A_3 : i32
    %mul3A_5 = arith.constant 8 : i32
    %mul3A_6 = arith.muli %arg1, %mul3A_5 : i32
    "tpu.region"() ({
      %run_scoped3A = tpu.sem_alloc : memref<!tpu.dma_semaphore, #tpu.memory_space<semaphore_mem>>
      %dma_start3A_218 = arith.constant 0 : i32
      %dma_start3A_219 = tpu.memref_slice %arg6[%mul3A_6, %dma_start3A_218] : memref<128x14336xf32, #tpu.memory_space<vmem_shared>> -> memref<8x14336xf32, #tpu.memory_space<vmem_shared>>
      %dma_start3A_220 = arith.constant 0 : i32
      %dma_start3A_221 = tpu.memref_slice %arg2[%mul3A_4, %dma_start3A_220] : memref<128x14336xf32, #tpu.memory_space<hbm>> -> memref<8x14336xf32, #tpu.memory_space<hbm>>
      tpu.enqueue_dma source(%dma_start3A_221 : memref<8x14336xf32, #tpu.memory_space<hbm>>) target(%dma_start3A_219 : memref<8x14336xf32, #tpu.memory_space<vmem_shared>>) target_semaphore(%run_scoped3A : memref<!tpu.dma_semaphore, #tpu.memory_space<semaphore_mem>>)
      %dma_wait3A_222 = arith.constant 0 : i32
      %dma_wait3A_223 = tpu.memref_slice %arg6[%mul3A_6, %dma_wait3A_222] : memref<128x14336xf32, #tpu.memory_space<vmem_shared>> -> memref<8x14336xf32, #tpu.memory_space<vmem_shared>>
      %dma_wait3A_224 = arith.constant 0 : i32
      %dma_wait3A_225 = tpu.memref_slice %arg2[%mul3A_4, %dma_wait3A_224] : memref<128x14336xf32, #tpu.memory_space<hbm>> -> memref<8x14336xf32, #tpu.memory_space<hbm>>
      tpu.wait_dma2 semaphore(%run_scoped3A : memref<!tpu.dma_semaphore, #tpu.memory_space<semaphore_mem>>) src(%dma_wait3A_225 : memref<8x14336xf32, #tpu.memory_space<hbm>>) dst(%dma_wait3A_223 : memref<8x14336xf32, #tpu.memory_space<vmem_shared>>)
      tpu.yield
    }) : () -> ()
    "tpu.region"() ({
      %run_scoped3A = tpu.sem_alloc : memref<!tpu.dma_semaphore, #tpu.memory_space<semaphore_mem>>
      %dma_start3A_218 = tpu.memref_slice %arg3[%mul3A_2] : memref<8192xi32, #tpu.memory_space<hbm>> -> memref<256xi32, #tpu.memory_space<hbm>>
      %dma_start3A_219 = tpu.memref_slice %arg3[%mul3A_2] : memref<8192xi32, #tpu.memory_space<hbm>> -> memref<256xi32, #tpu.memory_space<hbm>>
      tpu.enqueue_dma source(%dma_start3A_219 : memref<256xi32, #tpu.memory_space<hbm>>) target(%arg5 : memref<256xi32, #tpu.memory_space<vmem>>) target_semaphore(%run_scoped3A : memref<!tpu.dma_semaphore, #tpu.memory_space<semaphore_mem>>)
      %dma_wait3A_220 = tpu.memref_slice %arg3[%mul3A_2] : memref<8192xi32, #tpu.memory_space<hbm>> -> memref<256xi32, #tpu.memory_space<hbm>>
      %dma_wait3A_221 = tpu.memref_slice %arg3[%mul3A_2] : memref<8192xi32, #tpu.memory_space<hbm>> -> memref<256xi32, #tpu.memory_space<hbm>>
      tpu.wait_dma2 semaphore(%run_scoped3A : memref<!tpu.dma_semaphore, #tpu.memory_space<semaphore_mem>>) src(%dma_wait3A_221 : memref<256xi32, #tpu.memory_space<hbm>>) dst(%arg5 : memref<256xi32, #tpu.memory_space<vmem>>)
      tpu.yield
    }) : () -> ()
    %barrier3A = arith.constant 0 : index
    tpu.barrier barrier_id(%barrier3A)
    %get3A = arith.constant 0 : index
    %get3A_7 = tpu.vector_load %arg5[%get3A] {strides = array<i32>} : memref<256xi32, #tpu.memory_space<vmem>>, vector<16xi32>,
    %get3A_8 = vector.shape_cast %get3A_7 : vector<16xi32> to vector<16xi32>
    %slice3A = vector.extract_strided_slice %get3A_8 {offsets = [0], sizes = [1], strides = [1]} : vector<16xi32> to vector<1xi32>
    %squeeze3A = vector.extract %slice3A[0] : i32 from vector<1xi32>
    %add3A_9 = arith.constant 0 : i32
    %add3A_10 = arith.addi %mul3A_2, %add3A_9 : i32
    %dma_start3A = arith.constant 0 : i32
    %dma_start3A_11 = tpu.memref_slice %arg4[%add3A_10, %dma_start3A] : memref<8192x14336xf32, #tpu.memory_space<hbm>> -> memref<1x14336xf32, #tpu.memory_space<hbm>>
    %dma_start3A_12 = arith.constant 0 : i32
    %dma_start3A_13 = tpu.memref_slice %arg6[%squeeze3A, %dma_start3A_12] : memref<128x14336xf32, #tpu.memory_space<vmem_shared>> -> memref<1x14336xf32, #tpu.memory_space<vmem_shared>>
    tpu.enqueue_dma source(%dma_start3A_13 : memref<1x14336xf32, #tpu.memory_space<vmem_shared>>) target(%dma_start3A_11 : memref<1x14336xf32, #tpu.memory_space<hbm>>) target_semaphore(%arg7 : memref<!tpu.dma_semaphore, #tpu.memory_space<semaphore_mem>>)
    %slice3A_14 = vector.extract_strided_slice %get3A_8 {offsets = [1], sizes = [1], strides = [1]} : vector<16xi32> to vector<1xi32>
    %squeeze3A_15 = vector.extract %slice3A_14[0] : i32 from vector<1xi32>
    %add3A_16 = arith.constant 1 : i32
    %add3A_17 = arith.addi %mul3A_2, %add3A_16 : i32
    %dma_start3A_18 = arith.constant 0 : i32
    %dma_start3A_19 = tpu.memref_slice %arg4[%add3A_17, %dma_start3A_18] : memref<8192x14336xf32, #tpu.memory_space<hbm>> -> memref<1x14336xf32, #tpu.memory_space<hbm>>
    %dma_start3A_20 = arith.constant 0 : i32
    %dma_start3A_21 = tpu.memref_slice %arg6[%squeeze3A_15, %dma_start3A_20] : memref<128x14336xf32, #tpu.memory_space<vmem_shared>> -> memref<1x14336xf32, #tpu.memory_space<vmem_shared>>
    tpu.enqueue_dma source(%dma_start3A_21 : memref<1x14336xf32, #tpu.memory_space<vmem_shared>>) target(%dma_start3A_19 : memref<1x14336xf32, #tpu.memory_space<hbm>>) target_semaphore(%arg8 : memref<!tpu.dma_semaphore, #tpu.memory_space<semaphore_mem>>)
    %slice3A_22 = vector.extract_strided_slice %get3A_8 {offsets = [2], sizes = [1], strides = [1]} : vector<16xi32> to vector<1xi32>
    %squeeze3A_23 = vector.extract %slice3A_22[0] : i32 from vector<1xi32>
    %add3A_24 = arith.constant 2 : i32
    %add3A_25 = arith.addi %mul3A_2, %add3A_24 : i32
    %dma_start3A_26 = arith.constant 0 : i32
    %dma_start3A_27 = tpu.memref_slice %arg4[%add3A_25, %dma_start3A_26] : memref<8192x14336xf32, #tpu.memory_space<hbm>> -> memref<1x14336xf32, #tpu.memory_space<hbm>>
    %dma_start3A_28 = arith.constant 0 : i32
    %dma_start3A_29 = tpu.memref_slice %arg6[%squeeze3A_23, %dma_start3A_28] : memref<128x14336xf32, #tpu.memory_space<vmem_shared>> -> memref<1x14336xf32, #tpu.memory_space<vmem_shared>>
    tpu.enqueue_dma source(%dma_start3A_29 : memref<1x14336xf32, #tpu.memory_space<vmem_shared>>) target(%dma_start3A_27 : memref<1x14336xf32, #tpu.memory_space<hbm>>) target_semaphore(%arg9 : memref<!tpu.dma_semaphore, #tpu.memory_space<semaphore_mem>>)
    %slice3A_30 = vector.extract_strided_slice %get3A_8 {offsets = [3], sizes = [1], strides = [1]} : vector<16xi32> to vector<1xi32>
    %squeeze3A_31 = vector.extract %slice3A_30[0] : i32 from vector<1xi32>
    %add3A_32 = arith.constant 3 : i32
    %add3A_33 = arith.addi %mul3A_2, %add3A_32 : i32
    %dma_start3A_34 = arith.constant 0 : i32
    %dma_start3A_35 = tpu.memref_slice %arg4[%add3A_33, %dma_start3A_34] : memref<8192x14336xf32, #tpu.memory_space<hbm>> -> memref<1x14336xf32, #tpu.memory_space<hbm>>
    %dma_start3A_36 = arith.constant 0 : i32
    %dma_start3A_37 = tpu.memref_slice %arg6[%squeeze3A_31, %dma_start3A_36] : memref<128x14336xf32, #tpu.memory_space<vmem_shared>> -> memref<1x14336xf32, #tpu.memory_space<vmem_shared>>
    tpu.enqueue_dma source(%dma_start3A_37 : memref<1x14336xf32, #tpu.memory_space<vmem_shared>>) target(%dma_start3A_35 : memref<1x14336xf32, #tpu.memory_space<hbm>>) target_semaphore(%arg10 : memref<!tpu.dma_semaphore, #tpu.memory_space<semaphore_mem>>)
    %slice3A_38 = vector.extract_strided_slice %get3A_8 {offsets = [4], sizes = [1], strides = [1]} : vector<16xi32> to vector<1xi32>
    %squeeze3A_39 = vector.extract %slice3A_38[0] : i32 from vector<1xi32>
    %add3A_40 = arith.constant 4 : i32
    %add3A_41 = arith.addi %mul3A_2, %add3A_40 : i32
    %dma_start3A_42 = arith.constant 0 : i32
    %dma_start3A_43 = tpu.memref_slice %arg4[%add3A_41, %dma_start3A_42] : memref<8192x14336xf32, #tpu.memory_space<hbm>> -> memref<1x14336xf32, #tpu.memory_space<hbm>>
    %dma_start3A_44 = arith.constant 0 : i32
    %dma_start3A_45 = tpu.memref_slice %arg6[%squeeze3A_39, %dma_start3A_44] : memref<128x14336xf32, #tpu.memory_space<vmem_shared>> -> memref<1x14336xf32, #tpu.memory_space<vmem_shared>>
    tpu.enqueue_dma source(%dma_start3A_45 : memref<1x14336xf32, #tpu.memory_space<vmem_shared>>) target(%dma_start3A_43 : memref<1x14336xf32, #tpu.memory_space<hbm>>) target_semaphore(%arg11 : memref<!tpu.dma_semaphore, #tpu.memory_space<semaphore_mem>>)
    %slice3A_46 = vector.extract_strided_slice %get3A_8 {offsets = [5], sizes = [1], strides = [1]} : vector<16xi32> to vector<1xi32>
    %squeeze3A_47 = vector.extract %slice3A_46[0] : i32 from vector<1xi32>
    %add3A_48 = arith.constant 5 : i32
    %add3A_49 = arith.addi %mul3A_2, %add3A_48 : i32
    %dma_start3A_50 = arith.constant 0 : i32
    %dma_start3A_51 = tpu.memref_slice %arg4[%add3A_49, %dma_start3A_50] : memref<8192x14336xf32, #tpu.memory_space<hbm>> -> memref<1x14336xf32, #tpu.memory_space<hbm>>
    %dma_start3A_52 = arith.constant 0 : i32
    %dma_start3A_53 = tpu.memref_slice %arg6[%squeeze3A_47, %dma_start3A_52] : memref<128x14336xf32, #tpu.memory_space<vmem_shared>> -> memref<1x14336xf32, #tpu.memory_space<vmem_shared>>
    tpu.enqueue_dma source(%dma_start3A_53 : memref<1x14336xf32, #tpu.memory_space<vmem_shared>>) target(%dma_start3A_51 : memref<1x14336xf32, #tpu.memory_space<hbm>>) target_semaphore(%arg12 : memref<!tpu.dma_semaphore, #tpu.memory_space<semaphore_mem>>)
    %slice3A_54 = vector.extract_strided_slice %get3A_8 {offsets = [6], sizes = [1], strides = [1]} : vector<16xi32> to vector<1xi32>
    %squeeze3A_55 = vector.extract %slice3A_54[0] : i32 from vector<1xi32>
    %add3A_56 = arith.constant 6 : i32
    %add3A_57 = arith.addi %mul3A_2, %add3A_56 : i32
    %dma_start3A_58 = arith.constant 0 : i32
    %dma_start3A_59 = tpu.memref_slice %arg4[%add3A_57, %dma_start3A_58] : memref<8192x14336xf32, #tpu.memory_space<hbm>> -> memref<1x14336xf32, #tpu.memory_space<hbm>>
    %dma_start3A_60 = arith.constant 0 : i32
    %dma_start3A_61 = tpu.memref_slice %arg6[%squeeze3A_55, %dma_start3A_60] : memref<128x14336xf32, #tpu.memory_space<vmem_shared>> -> memref<1x14336xf32, #tpu.memory_space<vmem_shared>>
    tpu.enqueue_dma source(%dma_start3A_61 : memref<1x14336xf32, #tpu.memory_space<vmem_shared>>) target(%dma_start3A_59 : memref<1x14336xf32, #tpu.memory_space<hbm>>) target_semaphore(%arg13 : memref<!tpu.dma_semaphore, #tpu.memory_space<semaphore_mem>>)
    %slice3A_62 = vector.extract_strided_slice %get3A_8 {offsets = [7], sizes = [1], strides = [1]} : vector<16xi32> to vector<1xi32>
    %squeeze3A_63 = vector.extract %slice3A_62[0] : i32 from vector<1xi32>
    %add3A_64 = arith.constant 7 : i32
    %add3A_65 = arith.addi %mul3A_2, %add3A_64 : i32
    %dma_start3A_66 = arith.constant 0 : i32
    %dma_start3A_67 = tpu.memref_slice %arg4[%add3A_65, %dma_start3A_66] : memref<8192x14336xf32, #tpu.memory_space<hbm>> -> memref<1x14336xf32, #tpu.memory_space<hbm>>
    %dma_start3A_68 = arith.constant 0 : i32
    %dma_start3A_69 = tpu.memref_slice %arg6[%squeeze3A_63, %dma_start3A_68] : memref<128x14336xf32, #tpu.memory_space<vmem_shared>> -> memref<1x14336xf32, #tpu.memory_space<vmem_shared>>
    tpu.enqueue_dma source(%dma_start3A_69 : memref<1x14336xf32, #tpu.memory_space<vmem_shared>>) target(%dma_start3A_67 : memref<1x14336xf32, #tpu.memory_space<hbm>>) target_semaphore(%arg14 : memref<!tpu.dma_semaphore, #tpu.memory_space<semaphore_mem>>)
    %slice3A_70 = vector.extract_strided_slice %get3A_8 {offsets = [8], sizes = [1], strides = [1]} : vector<16xi32> to vector<1xi32>
    %squeeze3A_71 = vector.extract %slice3A_70[0] : i32 from vector<1xi32>
    %add3A_72 = arith.constant 8 : i32
    %add3A_73 = arith.addi %mul3A_2, %add3A_72 : i32
    %dma_start3A_74 = arith.constant 0 : i32
    %dma_start3A_75 = tpu.memref_slice %arg4[%add3A_73, %dma_start3A_74] : memref<8192x14336xf32, #tpu.memory_space<hbm>> -> memref<1x14336xf32, #tpu.memory_space<hbm>>
    %dma_start3A_76 = arith.constant 0 : i32
    %dma_start3A_77 = tpu.memref_slice %arg6[%squeeze3A_71, %dma_start3A_76] : memref<128x14336xf32, #tpu.memory_space<vmem_shared>> -> memref<1x14336xf32, #tpu.memory_space<vmem_shared>>
    tpu.enqueue_dma source(%dma_start3A_77 : memref<1x14336xf32, #tpu.memory_space<vmem_shared>>) target(%dma_start3A_75 : memref<1x14336xf32, #tpu.memory_space<hbm>>) target_semaphore(%arg15 : memref<!tpu.dma_semaphore, #tpu.memory_space<semaphore_mem>>)
    %slice3A_78 = vector.extract_strided_slice %get3A_8 {offsets = [9], sizes = [1], strides = [1]} : vector<16xi32> to vector<1xi32>
    %squeeze3A_79 = vector.extract %slice3A_78[0] : i32 from vector<1xi32>
    %add3A_80 = arith.constant 9 : i32
    %add3A_81 = arith.addi %mul3A_2, %add3A_80 : i32
    %dma_start3A_82 = arith.constant 0 : i32
    %dma_start3A_83 = tpu.memref_slice %arg4[%add3A_81, %dma_start3A_82] : memref<8192x14336xf32, #tpu.memory_space<hbm>> -> memref<1x14336xf32, #tpu.memory_space<hbm>>
    %dma_start3A_84 = arith.constant 0 : i32
    %dma_start3A_85 = tpu.memref_slice %arg6[%squeeze3A_79, %dma_start3A_84] : memref<128x14336xf32, #tpu.memory_space<vmem_shared>> -> memref<1x14336xf32, #tpu.memory_space<vmem_shared>>
    tpu.enqueue_dma source(%dma_start3A_85 : memref<1x14336xf32, #tpu.memory_space<vmem_shared>>) target(%dma_start3A_83 : memref<1x14336xf32, #tpu.memory_space<hbm>>) target_semaphore(%arg16 : memref<!tpu.dma_semaphore, #tpu.memory_space<semaphore_mem>>)
    %slice3A_86 = vector.extract_strided_slice %get3A_8 {offsets = [10], sizes = [1], strides = [1]} : vector<16xi32> to vector<1xi32>
    %squeeze3A_87 = vector.extract %slice3A_86[0] : i32 from vector<1xi32>
    %add3A_88 = arith.constant 10 : i32
    %add3A_89 = arith.addi %mul3A_2, %add3A_88 : i32
    %dma_start3A_90 = arith.constant 0 : i32
    %dma_start3A_91 = tpu.memref_slice %arg4[%add3A_89, %dma_start3A_90] : memref<8192x14336xf32, #tpu.memory_space<hbm>> -> memref<1x14336xf32, #tpu.memory_space<hbm>>
    %dma_start3A_92 = arith.constant 0 : i32
    %dma_start3A_93 = tpu.memref_slice %arg6[%squeeze3A_87, %dma_start3A_92] : memref<128x14336xf32, #tpu.memory_space<vmem_shared>> -> memref<1x14336xf32, #tpu.memory_space<vmem_shared>>
    tpu.enqueue_dma source(%dma_start3A_93 : memref<1x14336xf32, #tpu.memory_space<vmem_shared>>) target(%dma_start3A_91 : memref<1x14336xf32, #tpu.memory_space<hbm>>) target_semaphore(%arg17 : memref<!tpu.dma_semaphore, #tpu.memory_space<semaphore_mem>>)
    %slice3A_94 = vector.extract_strided_slice %get3A_8 {offsets = [11], sizes = [1], strides = [1]} : vector<16xi32> to vector<1xi32>
    %squeeze3A_95 = vector.extract %slice3A_94[0] : i32 from vector<1xi32>
    %add3A_96 = arith.constant 11 : i32
    %add3A_97 = arith.addi %mul3A_2, %add3A_96 : i32
    %dma_start3A_98 = arith.constant 0 : i32
    %dma_start3A_99 = tpu.memref_slice %arg4[%add3A_97, %dma_start3A_98] : memref<8192x14336xf32, #tpu.memory_space<hbm>> -> memref<1x14336xf32, #tpu.memory_space<hbm>>
    %dma_start3A_100 = arith.constant 0 : i32
    %dma_start3A_101 = tpu.memref_slice %arg6[%squeeze3A_95, %dma_start3A_100] : memref<128x14336xf32, #tpu.memory_space<vmem_shared>> -> memref<1x14336xf32, #tpu.memory_space<vmem_shared>>
    tpu.enqueue_dma source(%dma_start3A_101 : memref<1x14336xf32, #tpu.memory_space<vmem_shared>>) target(%dma_start3A_99 : memref<1x14336xf32, #tpu.memory_space<hbm>>) target_semaphore(%arg18 : memref<!tpu.dma_semaphore, #tpu.memory_space<semaphore_mem>>)
    %slice3A_102 = vector.extract_strided_slice %get3A_8 {offsets = [12], sizes = [1], strides = [1]} : vector<16xi32> to vector<1xi32>
    %squeeze3A_103 = vector.extract %slice3A_102[0] : i32 from vector<1xi32>
    %add3A_104 = arith.constant 12 : i32
    %add3A_105 = arith.addi %mul3A_2, %add3A_104 : i32
    %dma_start3A_106 = arith.constant 0 : i32
    %dma_start3A_107 = tpu.memref_slice %arg4[%add3A_105, %dma_start3A_106] : memref<8192x14336xf32, #tpu.memory_space<hbm>> -> memref<1x14336xf32, #tpu.memory_space<hbm>>
    %dma_start3A_108 = arith.constant 0 : i32
    %dma_start3A_109 = tpu.memref_slice %arg6[%squeeze3A_103, %dma_start3A_108] : memref<128x14336xf32, #tpu.memory_space<vmem_shared>> -> memref<1x14336xf32, #tpu.memory_space<vmem_shared>>
    tpu.enqueue_dma source(%dma_start3A_109 : memref<1x14336xf32, #tpu.memory_space<vmem_shared>>) target(%dma_start3A_107 : memref<1x14336xf32, #tpu.memory_space<hbm>>) target_semaphore(%arg19 : memref<!tpu.dma_semaphore, #tpu.memory_space<semaphore_mem>>)
    %slice3A_110 = vector.extract_strided_slice %get3A_8 {offsets = [13], sizes = [1], strides = [1]} : vector<16xi32> to vector<1xi32>
    %squeeze3A_111 = vector.extract %slice3A_110[0] : i32 from vector<1xi32>
    %add3A_112 = arith.constant 13 : i32
    %add3A_113 = arith.addi %mul3A_2, %add3A_112 : i32
    %dma_start3A_114 = arith.constant 0 : i32
    %dma_start3A_115 = tpu.memref_slice %arg4[%add3A_113, %dma_start3A_114] : memref<8192x14336xf32, #tpu.memory_space<hbm>> -> memref<1x14336xf32, #tpu.memory_space<hbm>>
    %dma_start3A_116 = arith.constant 0 : i32
    %dma_start3A_117 = tpu.memref_slice %arg6[%squeeze3A_111, %dma_start3A_116] : memref<128x14336xf32, #tpu.memory_space<vmem_shared>> -> memref<1x14336xf32, #tpu.memory_space<vmem_shared>>
    tpu.enqueue_dma source(%dma_start3A_117 : memref<1x14336xf32, #tpu.memory_space<vmem_shared>>) target(%dma_start3A_115 : memref<1x14336xf32, #tpu.memory_space<hbm>>) target_semaphore(%arg20 : memref<!tpu.dma_semaphore, #tpu.memory_space<semaphore_mem>>)
    %slice3A_118 = vector.extract_strided_slice %get3A_8 {offsets = [14], sizes = [1], strides = [1]} : vector<16xi32> to vector<1xi32>
    %squeeze3A_119 = vector.extract %slice3A_118[0] : i32 from vector<1xi32>
    %add3A_120 = arith.constant 14 : i32
    %add3A_121 = arith.addi %mul3A_2, %add3A_120 : i32
    %dma_start3A_122 = arith.constant 0 : i32
    %dma_start3A_123 = tpu.memref_slice %arg4[%add3A_121, %dma_start3A_122] : memref<8192x14336xf32, #tpu.memory_space<hbm>> -> memref<1x14336xf32, #tpu.memory_space<hbm>>
    %dma_start3A_124 = arith.constant 0 : i32
    %dma_start3A_125 = tpu.memref_slice %arg6[%squeeze3A_119, %dma_start3A_124] : memref<128x14336xf32, #tpu.memory_space<vmem_shared>> -> memref<1x14336xf32, #tpu.memory_space<vmem_shared>>
    tpu.enqueue_dma source(%dma_start3A_125 : memref<1x14336xf32, #tpu.memory_space<vmem_shared>>) target(%dma_start3A_123 : memref<1x14336xf32, #tpu.memory_space<hbm>>) target_semaphore(%arg21 : memref<!tpu.dma_semaphore, #tpu.memory_space<semaphore_mem>>)
    %slice3A_126 = vector.extract_strided_slice %get3A_8 {offsets = [15], sizes = [1], strides = [1]} : vector<16xi32> to vector<1xi32>
    %squeeze3A_127 = vector.extract %slice3A_126[0] : i32 from vector<1xi32>
    %add3A_128 = arith.constant 15 : i32
    %add3A_129 = arith.addi %mul3A_2, %add3A_128 : i32
    %dma_start3A_130 = arith.constant 0 : i32
    %dma_start3A_131 = tpu.memref_slice %arg4[%add3A_129, %dma_start3A_130] : memref<8192x14336xf32, #tpu.memory_space<hbm>> -> memref<1x14336xf32, #tpu.memory_space<hbm>>
    %dma_start3A_132 = arith.constant 0 : i32
    %dma_start3A_133 = tpu.memref_slice %arg6[%squeeze3A_127, %dma_start3A_132] : memref<128x14336xf32, #tpu.memory_space<vmem_shared>> -> memref<1x14336xf32, #tpu.memory_space<vmem_shared>>
    tpu.enqueue_dma source(%dma_start3A_133 : memref<1x14336xf32, #tpu.memory_space<vmem_shared>>) target(%dma_start3A_131 : memref<1x14336xf32, #tpu.memory_space<hbm>>) target_semaphore(%arg22 : memref<!tpu.dma_semaphore, #tpu.memory_space<semaphore_mem>>)
    %scan3A = arith.constant 0 : i32
    %scan3A_134 = arith.constant 0 : i32
    %scan3A_135 = arith.constant 15 : i32
    %scan3A_136 = arith.addi %scan3A_134, %scan3A_135 : i32
    %scan3A_137 = arith.constant 1 : i32
    scf.for %scan3A_218 = %scan3A_134 to %scan3A_136 step %scan3A_137  : i32 {
      %add3A_219 = arith.constant 1 : i32
      %add3A_220 = arith.addi %scan3A_218, %add3A_219 : i32
      %mul3A_221 = arith.constant 16 : i32
      %mul3A_222 = arith.muli %mul3A_221, %add3A_220 : i32
      %get3A_223 = arith.index_cast %mul3A_222 : i32 to index
      %get3A_224 = tpu.vector_load %arg5[%get3A_223] {strides = array<i32>} : memref<256xi32, #tpu.memory_space<vmem>>, vector<16xi32>,
      %get3A_225 = vector.shape_cast %get3A_224 : vector<16xi32> to vector<16xi32>
      %dma_wait3A_226 = arith.constant 0 : i32
      %dma_wait3A_227 = tpu.memref_slice %arg4[%mul3A_2, %dma_wait3A_226] : memref<8192x14336xf32, #tpu.memory_space<hbm>> -> memref<1x14336xf32, #tpu.memory_space<hbm>>
      %dma_wait3A_228 = arith.constant 0 : i32
      %dma_wait3A_229 = arith.constant 0 : i32
      %dma_wait3A_230 = tpu.memref_slice %arg6[%dma_wait3A_228, %dma_wait3A_229] : memref<128x14336xf32, #tpu.memory_space<vmem_shared>> -> memref<1x14336xf32, #tpu.memory_space<vmem_shared>>
      tpu.wait_dma2 semaphore(%arg7 : memref<!tpu.dma_semaphore, #tpu.memory_space<semaphore_mem>>) src(%dma_wait3A_230 : memref<1x14336xf32, #tpu.memory_space<vmem_shared>>) dst(%dma_wait3A_227 : memref<1x14336xf32, #tpu.memory_space<hbm>>)
      %slice3A_231 = vector.extract_strided_slice %get3A_225 {offsets = [0], sizes = [1], strides = [1]} : vector<16xi32> to vector<1xi32>
      %squeeze3A_232 = vector.extract %slice3A_231[0] : i32 from vector<1xi32>
      %add3A_233 = arith.constant 1 : i32
      %add3A_234 = arith.addi %scan3A_218, %add3A_233 : i32
      %mul3A_235 = arith.constant 16 : i32
      %mul3A_236 = arith.muli %mul3A_235, %add3A_234 : i32
      %add3A_237 = arith.constant 0 : i32
      %add3A_238 = arith.addi %mul3A_236, %add3A_237 : i32
      %add3A_239 = arith.addi %mul3A_2, %add3A_238 : i32
      %dma_start3A_240 = arith.constant 0 : i32
      %dma_start3A_241 = tpu.memref_slice %arg4[%add3A_239, %dma_start3A_240] : memref<8192x14336xf32, #tpu.memory_space<hbm>> -> memref<1x14336xf32, #tpu.memory_space<hbm>>
      %dma_start3A_242 = arith.constant 0 : i32
      %dma_start3A_243 = tpu.memref_slice %arg6[%squeeze3A_232, %dma_start3A_242] : memref<128x14336xf32, #tpu.memory_space<vmem_shared>> -> memref<1x14336xf32, #tpu.memory_space<vmem_shared>>
      tpu.enqueue_dma source(%dma_start3A_243 : memref<1x14336xf32, #tpu.memory_space<vmem_shared>>) target(%dma_start3A_241 : memref<1x14336xf32, #tpu.memory_space<hbm>>) target_semaphore(%arg7 : memref<!tpu.dma_semaphore, #tpu.memory_space<semaphore_mem>>)
      %dma_wait3A_244 = arith.constant 0 : i32
      %dma_wait3A_245 = tpu.memref_slice %arg4[%mul3A_2, %dma_wait3A_244] : memref<8192x14336xf32, #tpu.memory_space<hbm>> -> memref<1x14336xf32, #tpu.memory_space<hbm>>
      %dma_wait3A_246 = arith.constant 0 : i32
      %dma_wait3A_247 = arith.constant 0 : i32
      %dma_wait3A_248 = tpu.memref_slice %arg6[%dma_wait3A_246, %dma_wait3A_247] : memref<128x14336xf32, #tpu.memory_space<vmem_shared>> -> memref<1x14336xf32, #tpu.memory_space<vmem_shared>>
      tpu.wait_dma2 semaphore(%arg8 : memref<!tpu.dma_semaphore, #tpu.memory_space<semaphore_mem>>) src(%dma_wait3A_248 : memref<1x14336xf32, #tpu.memory_space<vmem_shared>>) dst(%dma_wait3A_245 : memref<1x14336xf32, #tpu.memory_space<hbm>>)
      %slice3A_249 = vector.extract_strided_slice %get3A_225 {offsets = [1], sizes = [1], strides = [1]} : vector<16xi32> to vector<1xi32>
      %squeeze3A_250 = vector.extract %slice3A_249[0] : i32 from vector<1xi32>
      %add3A_251 = arith.constant 1 : i32
      %add3A_252 = arith.addi %scan3A_218, %add3A_251 : i32
      %mul3A_253 = arith.constant 16 : i32
      %mul3A_254 = arith.muli %mul3A_253, %add3A_252 : i32
      %add3A_255 = arith.constant 1 : i32
      %add3A_256 = arith.addi %mul3A_254, %add3A_255 : i32
      %add3A_257 = arith.addi %mul3A_2, %add3A_256 : i32
      %dma_start3A_258 = arith.constant 0 : i32
      %dma_start3A_259 = tpu.memref_slice %arg4[%add3A_257, %dma_start3A_258] : memref<8192x14336xf32, #tpu.memory_space<hbm>> -> memref<1x14336xf32, #tpu.memory_space<hbm>>
      %dma_start3A_260 = arith.constant 0 : i32
      %dma_start3A_261 = tpu.memref_slice %arg6[%squeeze3A_250, %dma_start3A_260] : memref<128x14336xf32, #tpu.memory_space<vmem_shared>> -> memref<1x14336xf32, #tpu.memory_space<vmem_shared>>
      tpu.enqueue_dma source(%dma_start3A_261 : memref<1x14336xf32, #tpu.memory_space<vmem_shared>>) target(%dma_start3A_259 : memref<1x14336xf32, #tpu.memory_space<hbm>>) target_semaphore(%arg8 : memref<!tpu.dma_semaphore, #tpu.memory_space<semaphore_mem>>)
      %dma_wait3A_262 = arith.constant 0 : i32
      %dma_wait3A_263 = tpu.memref_slice %arg4[%mul3A_2, %dma_wait3A_262] : memref<8192x14336xf32, #tpu.memory_space<hbm>> -> memref<1x14336xf32, #tpu.memory_space<hbm>>
      %dma_wait3A_264 = arith.constant 0 : i32
      %dma_wait3A_265 = arith.constant 0 : i32
      %dma_wait3A_266 = tpu.memref_slice %arg6[%dma_wait3A_264, %dma_wait3A_265] : memref<128x14336xf32, #tpu.memory_space<vmem_shared>> -> memref<1x14336xf32, #tpu.memory_space<vmem_shared>>
      tpu.wait_dma2 semaphore(%arg9 : memref<!tpu.dma_semaphore, #tpu.memory_space<semaphore_mem>>) src(%dma_wait3A_266 : memref<1x14336xf32, #tpu.memory_space<vmem_shared>>) dst(%dma_wait3A_263 : memref<1x14336xf32, #tpu.memory_space<hbm>>)
      %slice3A_267 = vector.extract_strided_slice %get3A_225 {offsets = [2], sizes = [1], strides = [1]} : vector<16xi32> to vector<1xi32>
      %squeeze3A_268 = vector.extract %slice3A_267[0] : i32 from vector<1xi32>
      %add3A_269 = arith.constant 1 : i32
      %add3A_270 = arith.addi %scan3A_218, %add3A_269 : i32
      %mul3A_271 = arith.constant 16 : i32
      %mul3A_272 = arith.muli %mul3A_271, %add3A_270 : i32
      %add3A_273 = arith.constant 2 : i32
      %add3A_274 = arith.addi %mul3A_272, %add3A_273 : i32
      %add3A_275 = arith.addi %mul3A_2, %add3A_274 : i32
      %dma_start3A_276 = arith.constant 0 : i32
      %dma_start3A_277 = tpu.memref_slice %arg4[%add3A_275, %dma_start3A_276] : memref<8192x14336xf32, #tpu.memory_space<hbm>> -> memref<1x14336xf32, #tpu.memory_space<hbm>>
      %dma_start3A_278 = arith.constant 0 : i32
      %dma_start3A_279 = tpu.memref_slice %arg6[%squeeze3A_268, %dma_start3A_278] : memref<128x14336xf32, #tpu.memory_space<vmem_shared>> -> memref<1x14336xf32, #tpu.memory_space<vmem_shared>>
      tpu.enqueue_dma source(%dma_start3A_279 : memref<1x14336xf32, #tpu.memory_space<vmem_shared>>) target(%dma_start3A_277 : memref<1x14336xf32, #tpu.memory_space<hbm>>) target_semaphore(%arg9 : memref<!tpu.dma_semaphore, #tpu.memory_space<semaphore_mem>>)
      %dma_wait3A_280 = arith.constant 0 : i32
      %dma_wait3A_281 = tpu.memref_slice %arg4[%mul3A_2, %dma_wait3A_280] : memref<8192x14336xf32, #tpu.memory_space<hbm>> -> memref<1x14336xf32, #tpu.memory_space<hbm>>
      %dma_wait3A_282 = arith.constant 0 : i32
      %dma_wait3A_283 = arith.constant 0 : i32
      %dma_wait3A_284 = tpu.memref_slice %arg6[%dma_wait3A_282, %dma_wait3A_283] : memref<128x14336xf32, #tpu.memory_space<vmem_shared>> -> memref<1x14336xf32, #tpu.memory_space<vmem_shared>>
      tpu.wait_dma2 semaphore(%arg10 : memref<!tpu.dma_semaphore, #tpu.memory_space<semaphore_mem>>) src(%dma_wait3A_284 : memref<1x14336xf32, #tpu.memory_space<vmem_shared>>) dst(%dma_wait3A_281 : memref<1x14336xf32, #tpu.memory_space<hbm>>)
      %slice3A_285 = vector.extract_strided_slice %get3A_225 {offsets = [3], sizes = [1], strides = [1]} : vector<16xi32> to vector<1xi32>
      %squeeze3A_286 = vector.extract %slice3A_285[0] : i32 from vector<1xi32>
      %add3A_287 = arith.constant 1 : i32
      %add3A_288 = arith.addi %scan3A_218, %add3A_287 : i32
      %mul3A_289 = arith.constant 16 : i32
      %mul3A_290 = arith.muli %mul3A_289, %add3A_288 : i32
      %add3A_291 = arith.constant 3 : i32
      %add3A_292 = arith.addi %mul3A_290, %add3A_291 : i32
      %add3A_293 = arith.addi %mul3A_2, %add3A_292 : i32
      %dma_start3A_294 = arith.constant 0 : i32
      %dma_start3A_295 = tpu.memref_slice %arg4[%add3A_293, %dma_start3A_294] : memref<8192x14336xf32, #tpu.memory_space<hbm>> -> memref<1x14336xf32, #tpu.memory_space<hbm>>
      %dma_start3A_296 = arith.constant 0 : i32
      %dma_start3A_297 = tpu.memref_slice %arg6[%squeeze3A_286, %dma_start3A_296] : memref<128x14336xf32, #tpu.memory_space<vmem_shared>> -> memref<1x14336xf32, #tpu.memory_space<vmem_shared>>
      tpu.enqueue_dma source(%dma_start3A_297 : memref<1x14336xf32, #tpu.memory_space<vmem_shared>>) target(%dma_start3A_295 : memref<1x14336xf32, #tpu.memory_space<hbm>>) target_semaphore(%arg10 : memref<!tpu.dma_semaphore, #tpu.memory_space<semaphore_mem>>)
      %dma_wait3A_298 = arith.constant 0 : i32
      %dma_wait3A_299 = tpu.memref_slice %arg4[%mul3A_2, %dma_wait3A_298] : memref<8192x14336xf32, #tpu.memory_space<hbm>> -> memref<1x14336xf32, #tpu.memory_space<hbm>>
      %dma_wait3A_300 = arith.constant 0 : i32
      %dma_wait3A_301 = arith.constant 0 : i32
      %dma_wait3A_302 = tpu.memref_slice %arg6[%dma_wait3A_300, %dma_wait3A_301] : memref<128x14336xf32, #tpu.memory_space<vmem_shared>> -> memref<1x14336xf32, #tpu.memory_space<vmem_shared>>
      tpu.wait_dma2 semaphore(%arg11 : memref<!tpu.dma_semaphore, #tpu.memory_space<semaphore_mem>>) src(%dma_wait3A_302 : memref<1x14336xf32, #tpu.memory_space<vmem_shared>>) dst(%dma_wait3A_299 : memref<1x14336xf32, #tpu.memory_space<hbm>>)
      %slice3A_303 = vector.extract_strided_slice %get3A_225 {offsets = [4], sizes = [1], strides = [1]} : vector<16xi32> to vector<1xi32>
      %squeeze3A_304 = vector.extract %slice3A_303[0] : i32 from vector<1xi32>
      %add3A_305 = arith.constant 1 : i32
      %add3A_306 = arith.addi %scan3A_218, %add3A_305 : i32
      %mul3A_307 = arith.constant 16 : i32
      %mul3A_308 = arith.muli %mul3A_307, %add3A_306 : i32
      %add3A_309 = arith.constant 4 : i32
      %add3A_310 = arith.addi %mul3A_308, %add3A_309 : i32
      %add3A_311 = arith.addi %mul3A_2, %add3A_310 : i32
      %dma_start3A_312 = arith.constant 0 : i32
      %dma_start3A_313 = tpu.memref_slice %arg4[%add3A_311, %dma_start3A_312] : memref<8192x14336xf32, #tpu.memory_space<hbm>> -> memref<1x14336xf32, #tpu.memory_space<hbm>>
      %dma_start3A_314 = arith.constant 0 : i32
      %dma_start3A_315 = tpu.memref_slice %arg6[%squeeze3A_304, %dma_start3A_314] : memref<128x14336xf32, #tpu.memory_space<vmem_shared>> -> memref<1x14336xf32, #tpu.memory_space<vmem_shared>>
      tpu.enqueue_dma source(%dma_start3A_315 : memref<1x14336xf32, #tpu.memory_space<vmem_shared>>) target(%dma_start3A_313 : memref<1x14336xf32, #tpu.memory_space<hbm>>) target_semaphore(%arg11 : memref<!tpu.dma_semaphore, #tpu.memory_space<semaphore_mem>>)
      %dma_wait3A_316 = arith.constant 0 : i32
      %dma_wait3A_317 = tpu.memref_slice %arg4[%mul3A_2, %dma_wait3A_316] : memref<8192x14336xf32, #tpu.memory_space<hbm>> -> memref<1x14336xf32, #tpu.memory_space<hbm>>
      %dma_wait3A_318 = arith.constant 0 : i32
      %dma_wait3A_319 = arith.constant 0 : i32
      %dma_wait3A_320 = tpu.memref_slice %arg6[%dma_wait3A_318, %dma_wait3A_319] : memref<128x14336xf32, #tpu.memory_space<vmem_shared>> -> memref<1x14336xf32, #tpu.memory_space<vmem_shared>>
      tpu.wait_dma2 semaphore(%arg12 : memref<!tpu.dma_semaphore, #tpu.memory_space<semaphore_mem>>) src(%dma_wait3A_320 : memref<1x14336xf32, #tpu.memory_space<vmem_shared>>) dst(%dma_wait3A_317 : memref<1x14336xf32, #tpu.memory_space<hbm>>)
      %slice3A_321 = vector.extract_strided_slice %get3A_225 {offsets = [5], sizes = [1], strides = [1]} : vector<16xi32> to vector<1xi32>
      %squeeze3A_322 = vector.extract %slice3A_321[0] : i32 from vector<1xi32>
      %add3A_323 = arith.constant 1 : i32
      %add3A_324 = arith.addi %scan3A_218, %add3A_323 : i32
      %mul3A_325 = arith.constant 16 : i32
      %mul3A_326 = arith.muli %mul3A_325, %add3A_324 : i32
      %add3A_327 = arith.constant 5 : i32
      %add3A_328 = arith.addi %mul3A_326, %add3A_327 : i32
      %add3A_329 = arith.addi %mul3A_2, %add3A_328 : i32
      %dma_start3A_330 = arith.constant 0 : i32
      %dma_start3A_331 = tpu.memref_slice %arg4[%add3A_329, %dma_start3A_330] : memref<8192x14336xf32, #tpu.memory_space<hbm>> -> memref<1x14336xf32, #tpu.memory_space<hbm>>
      %dma_start3A_332 = arith.constant 0 : i32
      %dma_start3A_333 = tpu.memref_slice %arg6[%squeeze3A_322, %dma_start3A_332] : memref<128x14336xf32, #tpu.memory_space<vmem_shared>> -> memref<1x14336xf32, #tpu.memory_space<vmem_shared>>
      tpu.enqueue_dma source(%dma_start3A_333 : memref<1x14336xf32, #tpu.memory_space<vmem_shared>>) target(%dma_start3A_331 : memref<1x14336xf32, #tpu.memory_space<hbm>>) target_semaphore(%arg12 : memref<!tpu.dma_semaphore, #tpu.memory_space<semaphore_mem>>)
      %dma_wait3A_334 = arith.constant 0 : i32
      %dma_wait3A_335 = tpu.memref_slice %arg4[%mul3A_2, %dma_wait3A_334] : memref<8192x14336xf32, #tpu.memory_space<hbm>> -> memref<1x14336xf32, #tpu.memory_space<hbm>>
      %dma_wait3A_336 = arith.constant 0 : i32
      %dma_wait3A_337 = arith.constant 0 : i32
      %dma_wait3A_338 = tpu.memref_slice %arg6[%dma_wait3A_336, %dma_wait3A_337] : memref<128x14336xf32, #tpu.memory_space<vmem_shared>> -> memref<1x14336xf32, #tpu.memory_space<vmem_shared>>
      tpu.wait_dma2 semaphore(%arg13 : memref<!tpu.dma_semaphore, #tpu.memory_space<semaphore_mem>>) src(%dma_wait3A_338 : memref<1x14336xf32, #tpu.memory_space<vmem_shared>>) dst(%dma_wait3A_335 : memref<1x14336xf32, #tpu.memory_space<hbm>>)
      %slice3A_339 = vector.extract_strided_slice %get3A_225 {offsets = [6], sizes = [1], strides = [1]} : vector<16xi32> to vector<1xi32>
      %squeeze3A_340 = vector.extract %slice3A_339[0] : i32 from vector<1xi32>
      %add3A_341 = arith.constant 1 : i32
      %add3A_342 = arith.addi %scan3A_218, %add3A_341 : i32
      %mul3A_343 = arith.constant 16 : i32
      %mul3A_344 = arith.muli %mul3A_343, %add3A_342 : i32
      %add3A_345 = arith.constant 6 : i32
      %add3A_346 = arith.addi %mul3A_344, %add3A_345 : i32
      %add3A_347 = arith.addi %mul3A_2, %add3A_346 : i32
      %dma_start3A_348 = arith.constant 0 : i32
      %dma_start3A_349 = tpu.memref_slice %arg4[%add3A_347, %dma_start3A_348] : memref<8192x14336xf32, #tpu.memory_space<hbm>> -> memref<1x14336xf32, #tpu.memory_space<hbm>>
      %dma_start3A_350 = arith.constant 0 : i32
      %dma_start3A_351 = tpu.memref_slice %arg6[%squeeze3A_340, %dma_start3A_350] : memref<128x14336xf32, #tpu.memory_space<vmem_shared>> -> memref<1x14336xf32, #tpu.memory_space<vmem_shared>>
      tpu.enqueue_dma source(%dma_start3A_351 : memref<1x14336xf32, #tpu.memory_space<vmem_shared>>) target(%dma_start3A_349 : memref<1x14336xf32, #tpu.memory_space<hbm>>) target_semaphore(%arg13 : memref<!tpu.dma_semaphore, #tpu.memory_space<semaphore_mem>>)
      %dma_wait3A_352 = arith.constant 0 : i32
      %dma_wait3A_353 = tpu.memref_slice %arg4[%mul3A_2, %dma_wait3A_352] : memref<8192x14336xf32, #tpu.memory_space<hbm>> -> memref<1x14336xf32, #tpu.memory_space<hbm>>
      %dma_wait3A_354 = arith.constant 0 : i32
      %dma_wait3A_355 = arith.constant 0 : i32
      %dma_wait3A_356 = tpu.memref_slice %arg6[%dma_wait3A_354, %dma_wait3A_355] : memref<128x14336xf32, #tpu.memory_space<vmem_shared>> -> memref<1x14336xf32, #tpu.memory_space<vmem_shared>>
      tpu.wait_dma2 semaphore(%arg14 : memref<!tpu.dma_semaphore, #tpu.memory_space<semaphore_mem>>) src(%dma_wait3A_356 : memref<1x14336xf32, #tpu.memory_space<vmem_shared>>) dst(%dma_wait3A_353 : memref<1x14336xf32, #tpu.memory_space<hbm>>)
      %slice3A_357 = vector.extract_strided_slice %get3A_225 {offsets = [7], sizes = [1], strides = [1]} : vector<16xi32> to vector<1xi32>
      %squeeze3A_358 = vector.extract %slice3A_357[0] : i32 from vector<1xi32>
      %add3A_359 = arith.constant 1 : i32
      %add3A_360 = arith.addi %scan3A_218, %add3A_359 : i32
      %mul3A_361 = arith.constant 16 : i32
      %mul3A_362 = arith.muli %mul3A_361, %add3A_360 : i32
      %add3A_363 = arith.constant 7 : i32
      %add3A_364 = arith.addi %mul3A_362, %add3A_363 : i32
      %add3A_365 = arith.addi %mul3A_2, %add3A_364 : i32
      %dma_start3A_366 = arith.constant 0 : i32
      %dma_start3A_367 = tpu.memref_slice %arg4[%add3A_365, %dma_start3A_366] : memref<8192x14336xf32, #tpu.memory_space<hbm>> -> memref<1x14336xf32, #tpu.memory_space<hbm>>
      %dma_start3A_368 = arith.constant 0 : i32
      %dma_start3A_369 = tpu.memref_slice %arg6[%squeeze3A_358, %dma_start3A_368] : memref<128x14336xf32, #tpu.memory_space<vmem_shared>> -> memref<1x14336xf32, #tpu.memory_space<vmem_shared>>
      tpu.enqueue_dma source(%dma_start3A_369 : memref<1x14336xf32, #tpu.memory_space<vmem_shared>>) target(%dma_start3A_367 : memref<1x14336xf32, #tpu.memory_space<hbm>>) target_semaphore(%arg14 : memref<!tpu.dma_semaphore, #tpu.memory_space<semaphore_mem>>)
      %dma_wait3A_370 = arith.constant 0 : i32
      %dma_wait3A_371 = tpu.memref_slice %arg4[%mul3A_2, %dma_wait3A_370] : memref<8192x14336xf32, #tpu.memory_space<hbm>> -> memref<1x14336xf32, #tpu.memory_space<hbm>>
      %dma_wait3A_372 = arith.constant 0 : i32
      %dma_wait3A_373 = arith.constant 0 : i32
      %dma_wait3A_374 = tpu.memref_slice %arg6[%dma_wait3A_372, %dma_wait3A_373] : memref<128x14336xf32, #tpu.memory_space<vmem_shared>> -> memref<1x14336xf32, #tpu.memory_space<vmem_shared>>
      tpu.wait_dma2 semaphore(%arg15 : memref<!tpu.dma_semaphore, #tpu.memory_space<semaphore_mem>>) src(%dma_wait3A_374 : memref<1x14336xf32, #tpu.memory_space<vmem_shared>>) dst(%dma_wait3A_371 : memref<1x14336xf32, #tpu.memory_space<hbm>>)
      %slice3A_375 = vector.extract_strided_slice %get3A_225 {offsets = [8], sizes = [1], strides = [1]} : vector<16xi32> to vector<1xi32>
      %squeeze3A_376 = vector.extract %slice3A_375[0] : i32 from vector<1xi32>
      %add3A_377 = arith.constant 1 : i32
      %add3A_378 = arith.addi %scan3A_218, %add3A_377 : i32
      %mul3A_379 = arith.constant 16 : i32
      %mul3A_380 = arith.muli %mul3A_379, %add3A_378 : i32
      %add3A_381 = arith.constant 8 : i32
      %add3A_382 = arith.addi %mul3A_380, %add3A_381 : i32
      %add3A_383 = arith.addi %mul3A_2, %add3A_382 : i32
      %dma_start3A_384 = arith.constant 0 : i32
      %dma_start3A_385 = tpu.memref_slice %arg4[%add3A_383, %dma_start3A_384] : memref<8192x14336xf32, #tpu.memory_space<hbm>> -> memref<1x14336xf32, #tpu.memory_space<hbm>>
      %dma_start3A_386 = arith.constant 0 : i32
      %dma_start3A_387 = tpu.memref_slice %arg6[%squeeze3A_376, %dma_start3A_386] : memref<128x14336xf32, #tpu.memory_space<vmem_shared>> -> memref<1x14336xf32, #tpu.memory_space<vmem_shared>>
      tpu.enqueue_dma source(%dma_start3A_387 : memref<1x14336xf32, #tpu.memory_space<vmem_shared>>) target(%dma_start3A_385 : memref<1x14336xf32, #tpu.memory_space<hbm>>) target_semaphore(%arg15 : memref<!tpu.dma_semaphore, #tpu.memory_space<semaphore_mem>>)
      %dma_wait3A_388 = arith.constant 0 : i32
      %dma_wait3A_389 = tpu.memref_slice %arg4[%mul3A_2, %dma_wait3A_388] : memref<8192x14336xf32, #tpu.memory_space<hbm>> -> memref<1x14336xf32, #tpu.memory_space<hbm>>
      %dma_wait3A_390 = arith.constant 0 : i32
      %dma_wait3A_391 = arith.constant 0 : i32
      %dma_wait3A_392 = tpu.memref_slice %arg6[%dma_wait3A_390, %dma_wait3A_391] : memref<128x14336xf32, #tpu.memory_space<vmem_shared>> -> memref<1x14336xf32, #tpu.memory_space<vmem_shared>>
      tpu.wait_dma2 semaphore(%arg16 : memref<!tpu.dma_semaphore, #tpu.memory_space<semaphore_mem>>) src(%dma_wait3A_392 : memref<1x14336xf32, #tpu.memory_space<vmem_shared>>) dst(%dma_wait3A_389 : memref<1x14336xf32, #tpu.memory_space<hbm>>)
      %slice3A_393 = vector.extract_strided_slice %get3A_225 {offsets = [9], sizes = [1], strides = [1]} : vector<16xi32> to vector<1xi32>
      %squeeze3A_394 = vector.extract %slice3A_393[0] : i32 from vector<1xi32>
      %add3A_395 = arith.constant 1 : i32
      %add3A_396 = arith.addi %scan3A_218, %add3A_395 : i32
      %mul3A_397 = arith.constant 16 : i32
      %mul3A_398 = arith.muli %mul3A_397, %add3A_396 : i32
      %add3A_399 = arith.constant 9 : i32
      %add3A_400 = arith.addi %mul3A_398, %add3A_399 : i32
      %add3A_401 = arith.addi %mul3A_2, %add3A_400 : i32
      %dma_start3A_402 = arith.constant 0 : i32
      %dma_start3A_403 = tpu.memref_slice %arg4[%add3A_401, %dma_start3A_402] : memref<8192x14336xf32, #tpu.memory_space<hbm>> -> memref<1x14336xf32, #tpu.memory_space<hbm>>
      %dma_start3A_404 = arith.constant 0 : i32
      %dma_start3A_405 = tpu.memref_slice %arg6[%squeeze3A_394, %dma_start3A_404] : memref<128x14336xf32, #tpu.memory_space<vmem_shared>> -> memref<1x14336xf32, #tpu.memory_space<vmem_shared>>
      tpu.enqueue_dma source(%dma_start3A_405 : memref<1x14336xf32, #tpu.memory_space<vmem_shared>>) target(%dma_start3A_403 : memref<1x14336xf32, #tpu.memory_space<hbm>>) target_semaphore(%arg16 : memref<!tpu.dma_semaphore, #tpu.memory_space<semaphore_mem>>)
      %dma_wait3A_406 = arith.constant 0 : i32
      %dma_wait3A_407 = tpu.memref_slice %arg4[%mul3A_2, %dma_wait3A_406] : memref<8192x14336xf32, #tpu.memory_space<hbm>> -> memref<1x14336xf32, #tpu.memory_space<hbm>>
      %dma_wait3A_408 = arith.constant 0 : i32
      %dma_wait3A_409 = arith.constant 0 : i32
      %dma_wait3A_410 = tpu.memref_slice %arg6[%dma_wait3A_408, %dma_wait3A_409] : memref<128x14336xf32, #tpu.memory_space<vmem_shared>> -> memref<1x14336xf32, #tpu.memory_space<vmem_shared>>
      tpu.wait_dma2 semaphore(%arg17 : memref<!tpu.dma_semaphore, #tpu.memory_space<semaphore_mem>>) src(%dma_wait3A_410 : memref<1x14336xf32, #tpu.memory_space<vmem_shared>>) dst(%dma_wait3A_407 : memref<1x14336xf32, #tpu.memory_space<hbm>>)
      %slice3A_411 = vector.extract_strided_slice %get3A_225 {offsets = [10], sizes = [1], strides = [1]} : vector<16xi32> to vector<1xi32>
      %squeeze3A_412 = vector.extract %slice3A_411[0] : i32 from vector<1xi32>
      %add3A_413 = arith.constant 1 : i32
      %add3A_414 = arith.addi %scan3A_218, %add3A_413 : i32
      %mul3A_415 = arith.constant 16 : i32
      %mul3A_416 = arith.muli %mul3A_415, %add3A_414 : i32
      %add3A_417 = arith.constant 10 : i32
      %add3A_418 = arith.addi %mul3A_416, %add3A_417 : i32
      %add3A_419 = arith.addi %mul3A_2, %add3A_418 : i32
      %dma_start3A_420 = arith.constant 0 : i32
      %dma_start3A_421 = tpu.memref_slice %arg4[%add3A_419, %dma_start3A_420] : memref<8192x14336xf32, #tpu.memory_space<hbm>> -> memref<1x14336xf32, #tpu.memory_space<hbm>>
      %dma_start3A_422 = arith.constant 0 : i32
      %dma_start3A_423 = tpu.memref_slice %arg6[%squeeze3A_412, %dma_start3A_422] : memref<128x14336xf32, #tpu.memory_space<vmem_shared>> -> memref<1x14336xf32, #tpu.memory_space<vmem_shared>>
      tpu.enqueue_dma source(%dma_start3A_423 : memref<1x14336xf32, #tpu.memory_space<vmem_shared>>) target(%dma_start3A_421 : memref<1x14336xf32, #tpu.memory_space<hbm>>) target_semaphore(%arg17 : memref<!tpu.dma_semaphore, #tpu.memory_space<semaphore_mem>>)
      %dma_wait3A_424 = arith.constant 0 : i32
      %dma_wait3A_425 = tpu.memref_slice %arg4[%mul3A_2, %dma_wait3A_424] : memref<8192x14336xf32, #tpu.memory_space<hbm>> -> memref<1x14336xf32, #tpu.memory_space<hbm>>
      %dma_wait3A_426 = arith.constant 0 : i32
      %dma_wait3A_427 = arith.constant 0 : i32
      %dma_wait3A_428 = tpu.memref_slice %arg6[%dma_wait3A_426, %dma_wait3A_427] : memref<128x14336xf32, #tpu.memory_space<vmem_shared>> -> memref<1x14336xf32, #tpu.memory_space<vmem_shared>>
      tpu.wait_dma2 semaphore(%arg18 : memref<!tpu.dma_semaphore, #tpu.memory_space<semaphore_mem>>) src(%dma_wait3A_428 : memref<1x14336xf32, #tpu.memory_space<vmem_shared>>) dst(%dma_wait3A_425 : memref<1x14336xf32, #tpu.memory_space<hbm>>)
      %slice3A_429 = vector.extract_strided_slice %get3A_225 {offsets = [11], sizes = [1], strides = [1]} : vector<16xi32> to vector<1xi32>
      %squeeze3A_430 = vector.extract %slice3A_429[0] : i32 from vector<1xi32>
      %add3A_431 = arith.constant 1 : i32
      %add3A_432 = arith.addi %scan3A_218, %add3A_431 : i32
      %mul3A_433 = arith.constant 16 : i32
      %mul3A_434 = arith.muli %mul3A_433, %add3A_432 : i32
      %add3A_435 = arith.constant 11 : i32
      %add3A_436 = arith.addi %mul3A_434, %add3A_435 : i32
      %add3A_437 = arith.addi %mul3A_2, %add3A_436 : i32
      %dma_start3A_438 = arith.constant 0 : i32
      %dma_start3A_439 = tpu.memref_slice %arg4[%add3A_437, %dma_start3A_438] : memref<8192x14336xf32, #tpu.memory_space<hbm>> -> memref<1x14336xf32, #tpu.memory_space<hbm>>
      %dma_start3A_440 = arith.constant 0 : i32
      %dma_start3A_441 = tpu.memref_slice %arg6[%squeeze3A_430, %dma_start3A_440] : memref<128x14336xf32, #tpu.memory_space<vmem_shared>> -> memref<1x14336xf32, #tpu.memory_space<vmem_shared>>
      tpu.enqueue_dma source(%dma_start3A_441 : memref<1x14336xf32, #tpu.memory_space<vmem_shared>>) target(%dma_start3A_439 : memref<1x14336xf32, #tpu.memory_space<hbm>>) target_semaphore(%arg18 : memref<!tpu.dma_semaphore, #tpu.memory_space<semaphore_mem>>)
      %dma_wait3A_442 = arith.constant 0 : i32
      %dma_wait3A_443 = tpu.memref_slice %arg4[%mul3A_2, %dma_wait3A_442] : memref<8192x14336xf32, #tpu.memory_space<hbm>> -> memref<1x14336xf32, #tpu.memory_space<hbm>>
      %dma_wait3A_444 = arith.constant 0 : i32
      %dma_wait3A_445 = arith.constant 0 : i32
      %dma_wait3A_446 = tpu.memref_slice %arg6[%dma_wait3A_444, %dma_wait3A_445] : memref<128x14336xf32, #tpu.memory_space<vmem_shared>> -> memref<1x14336xf32, #tpu.memory_space<vmem_shared>>
      tpu.wait_dma2 semaphore(%arg19 : memref<!tpu.dma_semaphore, #tpu.memory_space<semaphore_mem>>) src(%dma_wait3A_446 : memref<1x14336xf32, #tpu.memory_space<vmem_shared>>) dst(%dma_wait3A_443 : memref<1x14336xf32, #tpu.memory_space<hbm>>)
      %slice3A_447 = vector.extract_strided_slice %get3A_225 {offsets = [12], sizes = [1], strides = [1]} : vector<16xi32> to vector<1xi32>
      %squeeze3A_448 = vector.extract %slice3A_447[0] : i32 from vector<1xi32>
      %add3A_449 = arith.constant 1 : i32
      %add3A_450 = arith.addi %scan3A_218, %add3A_449 : i32
      %mul3A_451 = arith.constant 16 : i32
      %mul3A_452 = arith.muli %mul3A_451, %add3A_450 : i32
      %add3A_453 = arith.constant 12 : i32
      %add3A_454 = arith.addi %mul3A_452, %add3A_453 : i32
      %add3A_455 = arith.addi %mul3A_2, %add3A_454 : i32
      %dma_start3A_456 = arith.constant 0 : i32
      %dma_start3A_457 = tpu.memref_slice %arg4[%add3A_455, %dma_start3A_456] : memref<8192x14336xf32, #tpu.memory_space<hbm>> -> memref<1x14336xf32, #tpu.memory_space<hbm>>
      %dma_start3A_458 = arith.constant 0 : i32
      %dma_start3A_459 = tpu.memref_slice %arg6[%squeeze3A_448, %dma_start3A_458] : memref<128x14336xf32, #tpu.memory_space<vmem_shared>> -> memref<1x14336xf32, #tpu.memory_space<vmem_shared>>
      tpu.enqueue_dma source(%dma_start3A_459 : memref<1x14336xf32, #tpu.memory_space<vmem_shared>>) target(%dma_start3A_457 : memref<1x14336xf32, #tpu.memory_space<hbm>>) target_semaphore(%arg19 : memref<!tpu.dma_semaphore, #tpu.memory_space<semaphore_mem>>)
      %dma_wait3A_460 = arith.constant 0 : i32
      %dma_wait3A_461 = tpu.memref_slice %arg4[%mul3A_2, %dma_wait3A_460] : memref<8192x14336xf32, #tpu.memory_space<hbm>> -> memref<1x14336xf32, #tpu.memory_space<hbm>>
      %dma_wait3A_462 = arith.constant 0 : i32
      %dma_wait3A_463 = arith.constant 0 : i32
      %dma_wait3A_464 = tpu.memref_slice %arg6[%dma_wait3A_462, %dma_wait3A_463] : memref<128x14336xf32, #tpu.memory_space<vmem_shared>> -> memref<1x14336xf32, #tpu.memory_space<vmem_shared>>
      tpu.wait_dma2 semaphore(%arg20 : memref<!tpu.dma_semaphore, #tpu.memory_space<semaphore_mem>>) src(%dma_wait3A_464 : memref<1x14336xf32, #tpu.memory_space<vmem_shared>>) dst(%dma_wait3A_461 : memref<1x14336xf32, #tpu.memory_space<hbm>>)
      %slice3A_465 = vector.extract_strided_slice %get3A_225 {offsets = [13], sizes = [1], strides = [1]} : vector<16xi32> to vector<1xi32>
      %squeeze3A_466 = vector.extract %slice3A_465[0] : i32 from vector<1xi32>
      %add3A_467 = arith.constant 1 : i32
      %add3A_468 = arith.addi %scan3A_218, %add3A_467 : i32
      %mul3A_469 = arith.constant 16 : i32
      %mul3A_470 = arith.muli %mul3A_469, %add3A_468 : i32
      %add3A_471 = arith.constant 13 : i32
      %add3A_472 = arith.addi %mul3A_470, %add3A_471 : i32
      %add3A_473 = arith.addi %mul3A_2, %add3A_472 : i32
      %dma_start3A_474 = arith.constant 0 : i32
      %dma_start3A_475 = tpu.memref_slice %arg4[%add3A_473, %dma_start3A_474] : memref<8192x14336xf32, #tpu.memory_space<hbm>> -> memref<1x14336xf32, #tpu.memory_space<hbm>>
      %dma_start3A_476 = arith.constant 0 : i32
      %dma_start3A_477 = tpu.memref_slice %arg6[%squeeze3A_466, %dma_start3A_476] : memref<128x14336xf32, #tpu.memory_space<vmem_shared>> -> memref<1x14336xf32, #tpu.memory_space<vmem_shared>>
      tpu.enqueue_dma source(%dma_start3A_477 : memref<1x14336xf32, #tpu.memory_space<vmem_shared>>) target(%dma_start3A_475 : memref<1x14336xf32, #tpu.memory_space<hbm>>) target_semaphore(%arg20 : memref<!tpu.dma_semaphore, #tpu.memory_space<semaphore_mem>>)
      %dma_wait3A_478 = arith.constant 0 : i32
      %dma_wait3A_479 = tpu.memref_slice %arg4[%mul3A_2, %dma_wait3A_478] : memref<8192x14336xf32, #tpu.memory_space<hbm>> -> memref<1x14336xf32, #tpu.memory_space<hbm>>
      %dma_wait3A_480 = arith.constant 0 : i32
      %dma_wait3A_481 = arith.constant 0 : i32
      %dma_wait3A_482 = tpu.memref_slice %arg6[%dma_wait3A_480, %dma_wait3A_481] : memref<128x14336xf32, #tpu.memory_space<vmem_shared>> -> memref<1x14336xf32, #tpu.memory_space<vmem_shared>>
      tpu.wait_dma2 semaphore(%arg21 : memref<!tpu.dma_semaphore, #tpu.memory_space<semaphore_mem>>) src(%dma_wait3A_482 : memref<1x14336xf32, #tpu.memory_space<vmem_shared>>) dst(%dma_wait3A_479 : memref<1x14336xf32, #tpu.memory_space<hbm>>)
      %slice3A_483 = vector.extract_strided_slice %get3A_225 {offsets = [14], sizes = [1], strides = [1]} : vector<16xi32> to vector<1xi32>
      %squeeze3A_484 = vector.extract %slice3A_483[0] : i32 from vector<1xi32>
      %add3A_485 = arith.constant 1 : i32
      %add3A_486 = arith.addi %scan3A_218, %add3A_485 : i32
      %mul3A_487 = arith.constant 16 : i32
      %mul3A_488 = arith.muli %mul3A_487, %add3A_486 : i32
      %add3A_489 = arith.constant 14 : i32
      %add3A_490 = arith.addi %mul3A_488, %add3A_489 : i32
      %add3A_491 = arith.addi %mul3A_2, %add3A_490 : i32
      %dma_start3A_492 = arith.constant 0 : i32
      %dma_start3A_493 = tpu.memref_slice %arg4[%add3A_491, %dma_start3A_492] : memref<8192x14336xf32, #tpu.memory_space<hbm>> -> memref<1x14336xf32, #tpu.memory_space<hbm>>
      %dma_start3A_494 = arith.constant 0 : i32
      %dma_start3A_495 = tpu.memref_slice %arg6[%squeeze3A_484, %dma_start3A_494] : memref<128x14336xf32, #tpu.memory_space<vmem_shared>> -> memref<1x14336xf32, #tpu.memory_space<vmem_shared>>
      tpu.enqueue_dma source(%dma_start3A_495 : memref<1x14336xf32, #tpu.memory_space<vmem_shared>>) target(%dma_start3A_493 : memref<1x14336xf32, #tpu.memory_space<hbm>>) target_semaphore(%arg21 : memref<!tpu.dma_semaphore, #tpu.memory_space<semaphore_mem>>)
      %dma_wait3A_496 = arith.constant 0 : i32
      %dma_wait3A_497 = tpu.memref_slice %arg4[%mul3A_2, %dma_wait3A_496] : memref<8192x14336xf32, #tpu.memory_space<hbm>> -> memref<1x14336xf32, #tpu.memory_space<hbm>>
      %dma_wait3A_498 = arith.constant 0 : i32
      %dma_wait3A_499 = arith.constant 0 : i32
      %dma_wait3A_500 = tpu.memref_slice %arg6[%dma_wait3A_498, %dma_wait3A_499] : memref<128x14336xf32, #tpu.memory_space<vmem_shared>> -> memref<1x14336xf32, #tpu.memory_space<vmem_shared>>
      tpu.wait_dma2 semaphore(%arg22 : memref<!tpu.dma_semaphore, #tpu.memory_space<semaphore_mem>>) src(%dma_wait3A_500 : memref<1x14336xf32, #tpu.memory_space<vmem_shared>>) dst(%dma_wait3A_497 : memref<1x14336xf32, #tpu.memory_space<hbm>>)
      %slice3A_501 = vector.extract_strided_slice %get3A_225 {offsets = [15], sizes = [1], strides = [1]} : vector<16xi32> to vector<1xi32>
      %squeeze3A_502 = vector.extract %slice3A_501[0] : i32 from vector<1xi32>
      %add3A_503 = arith.constant 1 : i32
      %add3A_504 = arith.addi %scan3A_218, %add3A_503 : i32
      %mul3A_505 = arith.constant 16 : i32
      %mul3A_506 = arith.muli %mul3A_505, %add3A_504 : i32
      %add3A_507 = arith.constant 15 : i32
      %add3A_508 = arith.addi %mul3A_506, %add3A_507 : i32
      %add3A_509 = arith.addi %mul3A_2, %add3A_508 : i32
      %dma_start3A_510 = arith.constant 0 : i32
      %dma_start3A_511 = tpu.memref_slice %arg4[%add3A_509, %dma_start3A_510] : memref<8192x14336xf32, #tpu.memory_space<hbm>> -> memref<1x14336xf32, #tpu.memory_space<hbm>>
      %dma_start3A_512 = arith.constant 0 : i32
      %dma_start3A_513 = tpu.memref_slice %arg6[%squeeze3A_502, %dma_start3A_512] : memref<128x14336xf32, #tpu.memory_space<vmem_shared>> -> memref<1x14336xf32, #tpu.memory_space<vmem_shared>>
      tpu.enqueue_dma source(%dma_start3A_513 : memref<1x14336xf32, #tpu.memory_space<vmem_shared>>) target(%dma_start3A_511 : memref<1x14336xf32, #tpu.memory_space<hbm>>) target_semaphore(%arg22 : memref<!tpu.dma_semaphore, #tpu.memory_space<semaphore_mem>>)
    }
    %scan3A_138 = arith.constant 15 : i32
    %dma_wait3A = arith.constant 0 : i32
    %dma_wait3A_139 = tpu.memref_slice %arg4[%mul3A_2, %dma_wait3A] : memref<8192x14336xf32, #tpu.memory_space<hbm>> -> memref<1x14336xf32, #tpu.memory_space<hbm>>
    %dma_wait3A_140 = arith.constant 0 : i32
    %dma_wait3A_141 = arith.constant 0 : i32
    %dma_wait3A_142 = tpu.memref_slice %arg6[%dma_wait3A_140, %dma_wait3A_141] : memref<128x14336xf32, #tpu.memory_space<vmem_shared>> -> memref<1x14336xf32, #tpu.memory_space<vmem_shared>>
    tpu.wait_dma2 semaphore(%arg7 : memref<!tpu.dma_semaphore, #tpu.memory_space<semaphore_mem>>) src(%dma_wait3A_142 : memref<1x14336xf32, #tpu.memory_space<vmem_shared>>) dst(%dma_wait3A_139 : memref<1x14336xf32, #tpu.memory_space<hbm>>)
    %dma_wait3A_143 = arith.constant 0 : i32
    %dma_wait3A_144 = tpu.memref_slice %arg4[%mul3A_2, %dma_wait3A_143] : memref<8192x14336xf32, #tpu.memory_space<hbm>> -> memref<1x14336xf32, #tpu.memory_space<hbm>>
    %dma_wait3A_145 = arith.constant 0 : i32
    %dma_wait3A_146 = arith.constant 0 : i32
    %dma_wait3A_147 = tpu.memref_slice %arg6[%dma_wait3A_145, %dma_wait3A_146] : memref<128x14336xf32, #tpu.memory_space<vmem_shared>> -> memref<1x14336xf32, #tpu.memory_space<vmem_shared>>
    tpu.wait_dma2 semaphore(%arg8 : memref<!tpu.dma_semaphore, #tpu.memory_space<semaphore_mem>>) src(%dma_wait3A_147 : memref<1x14336xf32, #tpu.memory_space<vmem_shared>>) dst(%dma_wait3A_144 : memref<1x14336xf32, #tpu.memory_space<hbm>>)
    %dma_wait3A_148 = arith.constant 0 : i32
    %dma_wait3A_149 = tpu.memref_slice %arg4[%mul3A_2, %dma_wait3A_148] : memref<8192x14336xf32, #tpu.memory_space<hbm>> -> memref<1x14336xf32, #tpu.memory_space<hbm>>
    %dma_wait3A_150 = arith.constant 0 : i32
    %dma_wait3A_151 = arith.constant 0 : i32
    %dma_wait3A_152 = tpu.memref_slice %arg6[%dma_wait3A_150, %dma_wait3A_151] : memref<128x14336xf32, #tpu.memory_space<vmem_shared>> -> memref<1x14336xf32, #tpu.memory_space<vmem_shared>>
    tpu.wait_dma2 semaphore(%arg9 : memref<!tpu.dma_semaphore, #tpu.memory_space<semaphore_mem>>) src(%dma_wait3A_152 : memref<1x14336xf32, #tpu.memory_space<vmem_shared>>) dst(%dma_wait3A_149 : memref<1x14336xf32, #tpu.memory_space<hbm>>)
    %dma_wait3A_153 = arith.constant 0 : i32
    %dma_wait3A_154 = tpu.memref_slice %arg4[%mul3A_2, %dma_wait3A_153] : memref<8192x14336xf32, #tpu.memory_space<hbm>> -> memref<1x14336xf32, #tpu.memory_space<hbm>>
    %dma_wait3A_155 = arith.constant 0 : i32
    %dma_wait3A_156 = arith.constant 0 : i32
    %dma_wait3A_157 = tpu.memref_slice %arg6[%dma_wait3A_155, %dma_wait3A_156] : memref<128x14336xf32, #tpu.memory_space<vmem_shared>> -> memref<1x14336xf32, #tpu.memory_space<vmem_shared>>
    tpu.wait_dma2 semaphore(%arg10 : memref<!tpu.dma_semaphore, #tpu.memory_space<semaphore_mem>>) src(%dma_wait3A_157 : memref<1x14336xf32, #tpu.memory_space<vmem_shared>>) dst(%dma_wait3A_154 : memref<1x14336xf32, #tpu.memory_space<hbm>>)
    %dma_wait3A_158 = arith.constant 0 : i32
    %dma_wait3A_159 = tpu.memref_slice %arg4[%mul3A_2, %dma_wait3A_158] : memref<8192x14336xf32, #tpu.memory_space<hbm>> -> memref<1x14336xf32, #tpu.memory_space<hbm>>
    %dma_wait3A_160 = arith.constant 0 : i32
    %dma_wait3A_161 = arith.constant 0 : i32
    %dma_wait3A_162 = tpu.memref_slice %arg6[%dma_wait3A_160, %dma_wait3A_161] : memref<128x14336xf32, #tpu.memory_space<vmem_shared>> -> memref<1x14336xf32, #tpu.memory_space<vmem_shared>>
    tpu.wait_dma2 semaphore(%arg11 : memref<!tpu.dma_semaphore, #tpu.memory_space<semaphore_mem>>) src(%dma_wait3A_162 : memref<1x14336xf32, #tpu.memory_space<vmem_shared>>) dst(%dma_wait3A_159 : memref<1x14336xf32, #tpu.memory_space<hbm>>)
    %dma_wait3A_163 = arith.constant 0 : i32
    %dma_wait3A_164 = tpu.memref_slice %arg4[%mul3A_2, %dma_wait3A_163] : memref<8192x14336xf32, #tpu.memory_space<hbm>> -> memref<1x14336xf32, #tpu.memory_space<hbm>>
    %dma_wait3A_165 = arith.constant 0 : i32
    %dma_wait3A_166 = arith.constant 0 : i32
    %dma_wait3A_167 = tpu.memref_slice %arg6[%dma_wait3A_165, %dma_wait3A_166] : memref<128x14336xf32, #tpu.memory_space<vmem_shared>> -> memref<1x14336xf32, #tpu.memory_space<vmem_shared>>
    tpu.wait_dma2 semaphore(%arg12 : memref<!tpu.dma_semaphore, #tpu.memory_space<semaphore_mem>>) src(%dma_wait3A_167 : memref<1x14336xf32, #tpu.memory_space<vmem_shared>>) dst(%dma_wait3A_164 : memref<1x14336xf32, #tpu.memory_space<hbm>>)
    %dma_wait3A_168 = arith.constant 0 : i32
    %dma_wait3A_169 = tpu.memref_slice %arg4[%mul3A_2, %dma_wait3A_168] : memref<8192x14336xf32, #tpu.memory_space<hbm>> -> memref<1x14336xf32, #tpu.memory_space<hbm>>
    %dma_wait3A_170 = arith.constant 0 : i32
    %dma_wait3A_171 = arith.constant 0 : i32
    %dma_wait3A_172 = tpu.memref_slice %arg6[%dma_wait3A_170, %dma_wait3A_171] : memref<128x14336xf32, #tpu.memory_space<vmem_shared>> -> memref<1x14336xf32, #tpu.memory_space<vmem_shared>>
    tpu.wait_dma2 semaphore(%arg13 : memref<!tpu.dma_semaphore, #tpu.memory_space<semaphore_mem>>) src(%dma_wait3A_172 : memref<1x14336xf32, #tpu.memory_space<vmem_shared>>) dst(%dma_wait3A_169 : memref<1x14336xf32, #tpu.memory_space<hbm>>)
    %dma_wait3A_173 = arith.constant 0 : i32
    %dma_wait3A_174 = tpu.memref_slice %arg4[%mul3A_2, %dma_wait3A_173] : memref<8192x14336xf32, #tpu.memory_space<hbm>> -> memref<1x14336xf32, #tpu.memory_space<hbm>>
    %dma_wait3A_175 = arith.constant 0 : i32
    %dma_wait3A_176 = arith.constant 0 : i32
    %dma_wait3A_177 = tpu.memref_slice %arg6[%dma_wait3A_175, %dma_wait3A_176] : memref<128x14336xf32, #tpu.memory_space<vmem_shared>> -> memref<1x14336xf32, #tpu.memory_space<vmem_shared>>
    tpu.wait_dma2 semaphore(%arg14 : memref<!tpu.dma_semaphore, #tpu.memory_space<semaphore_mem>>) src(%dma_wait3A_177 : memref<1x14336xf32, #tpu.memory_space<vmem_shared>>) dst(%dma_wait3A_174 : memref<1x14336xf32, #tpu.memory_space<hbm>>)
    %dma_wait3A_178 = arith.constant 0 : i32
    %dma_wait3A_179 = tpu.memref_slice %arg4[%mul3A_2, %dma_wait3A_178] : memref<8192x14336xf32, #tpu.memory_space<hbm>> -> memref<1x14336xf32, #tpu.memory_space<hbm>>
    %dma_wait3A_180 = arith.constant 0 : i32
    %dma_wait3A_181 = arith.constant 0 : i32
    %dma_wait3A_182 = tpu.memref_slice %arg6[%dma_wait3A_180, %dma_wait3A_181] : memref<128x14336xf32, #tpu.memory_space<vmem_shared>> -> memref<1x14336xf32, #tpu.memory_space<vmem_shared>>
    tpu.wait_dma2 semaphore(%arg15 : memref<!tpu.dma_semaphore, #tpu.memory_space<semaphore_mem>>) src(%dma_wait3A_182 : memref<1x14336xf32, #tpu.memory_space<vmem_shared>>) dst(%dma_wait3A_179 : memref<1x14336xf32, #tpu.memory_space<hbm>>)
    %dma_wait3A_183 = arith.constant 0 : i32
    %dma_wait3A_184 = tpu.memref_slice %arg4[%mul3A_2, %dma_wait3A_183] : memref<8192x14336xf32, #tpu.memory_space<hbm>> -> memref<1x14336xf32, #tpu.memory_space<hbm>>
    %dma_wait3A_185 = arith.constant 0 : i32
    %dma_wait3A_186 = arith.constant 0 : i32
    %dma_wait3A_187 = tpu.memref_slice %arg6[%dma_wait3A_185, %dma_wait3A_186] : memref<128x14336xf32, #tpu.memory_space<vmem_shared>> -> memref<1x14336xf32, #tpu.memory_space<vmem_shared>>
    tpu.wait_dma2 semaphore(%arg16 : memref<!tpu.dma_semaphore, #tpu.memory_space<semaphore_mem>>) src(%dma_wait3A_187 : memref<1x14336xf32, #tpu.memory_space<vmem_shared>>) dst(%dma_wait3A_184 : memref<1x14336xf32, #tpu.memory_space<hbm>>)
    %dma_wait3A_188 = arith.constant 0 : i32
    %dma_wait3A_189 = tpu.memref_slice %arg4[%mul3A_2, %dma_wait3A_188] : memref<8192x14336xf32, #tpu.memory_space<hbm>> -> memref<1x14336xf32, #tpu.memory_space<hbm>>
    %dma_wait3A_190 = arith.constant 0 : i32
    %dma_wait3A_191 = arith.constant 0 : i32
    %dma_wait3A_192 = tpu.memref_slice %arg6[%dma_wait3A_190, %dma_wait3A_191] : memref<128x14336xf32, #tpu.memory_space<vmem_shared>> -> memref<1x14336xf32, #tpu.memory_space<vmem_shared>>
    tpu.wait_dma2 semaphore(%arg17 : memref<!tpu.dma_semaphore, #tpu.memory_space<semaphore_mem>>) src(%dma_wait3A_192 : memref<1x14336xf32, #tpu.memory_space<vmem_shared>>) dst(%dma_wait3A_189 : memref<1x14336xf32, #tpu.memory_space<hbm>>)
    %dma_wait3A_193 = arith.constant 0 : i32
    %dma_wait3A_194 = tpu.memref_slice %arg4[%mul3A_2, %dma_wait3A_193] : memref<8192x14336xf32, #tpu.memory_space<hbm>> -> memref<1x14336xf32, #tpu.memory_space<hbm>>
    %dma_wait3A_195 = arith.constant 0 : i32
    %dma_wait3A_196 = arith.constant 0 : i32
    %dma_wait3A_197 = tpu.memref_slice %arg6[%dma_wait3A_195, %dma_wait3A_196] : memref<128x14336xf32, #tpu.memory_space<vmem_shared>> -> memref<1x14336xf32, #tpu.memory_space<vmem_shared>>
    tpu.wait_dma2 semaphore(%arg18 : memref<!tpu.dma_semaphore, #tpu.memory_space<semaphore_mem>>) src(%dma_wait3A_197 : memref<1x14336xf32, #tpu.memory_space<vmem_shared>>) dst(%dma_wait3A_194 : memref<1x14336xf32, #tpu.memory_space<hbm>>)
    %dma_wait3A_198 = arith.constant 0 : i32
    %dma_wait3A_199 = tpu.memref_slice %arg4[%mul3A_2, %dma_wait3A_198] : memref<8192x14336xf32, #tpu.memory_space<hbm>> -> memref<1x14336xf32, #tpu.memory_space<hbm>>
    %dma_wait3A_200 = arith.constant 0 : i32
    %dma_wait3A_201 = arith.constant 0 : i32
    %dma_wait3A_202 = tpu.memref_slice %arg6[%dma_wait3A_200, %dma_wait3A_201] : memref<128x14336xf32, #tpu.memory_space<vmem_shared>> -> memref<1x14336xf32, #tpu.memory_space<vmem_shared>>
    tpu.wait_dma2 semaphore(%arg19 : memref<!tpu.dma_semaphore, #tpu.memory_space<semaphore_mem>>) src(%dma_wait3A_202 : memref<1x14336xf32, #tpu.memory_space<vmem_shared>>) dst(%dma_wait3A_199 : memref<1x14336xf32, #tpu.memory_space<hbm>>)
    %dma_wait3A_203 = arith.constant 0 : i32
    %dma_wait3A_204 = tpu.memref_slice %arg4[%mul3A_2, %dma_wait3A_203] : memref<8192x14336xf32, #tpu.memory_space<hbm>> -> memref<1x14336xf32, #tpu.memory_space<hbm>>
    %dma_wait3A_205 = arith.constant 0 : i32
    %dma_wait3A_206 = arith.constant 0 : i32
    %dma_wait3A_207 = tpu.memref_slice %arg6[%dma_wait3A_205, %dma_wait3A_206] : memref<128x14336xf32, #tpu.memory_space<vmem_shared>> -> memref<1x14336xf32, #tpu.memory_space<vmem_shared>>
    tpu.wait_dma2 semaphore(%arg20 : memref<!tpu.dma_semaphore, #tpu.memory_space<semaphore_mem>>) src(%dma_wait3A_207 : memref<1x14336xf32, #tpu.memory_space<vmem_shared>>) dst(%dma_wait3A_204 : memref<1x14336xf32, #tpu.memory_space<hbm>>)
    %dma_wait3A_208 = arith.constant 0 : i32
    %dma_wait3A_209 = tpu.memref_slice %arg4[%mul3A_2, %dma_wait3A_208] : memref<8192x14336xf32, #tpu.memory_space<hbm>> -> memref<1x14336xf32, #tpu.memory_space<hbm>>
    %dma_wait3A_210 = arith.constant 0 : i32
    %dma_wait3A_211 = arith.constant 0 : i32
    %dma_wait3A_212 = tpu.memref_slice %arg6[%dma_wait3A_210, %dma_wait3A_211] : memref<128x14336xf32, #tpu.memory_space<vmem_shared>> -> memref<1x14336xf32, #tpu.memory_space<vmem_shared>>
    tpu.wait_dma2 semaphore(%arg21 : memref<!tpu.dma_semaphore, #tpu.memory_space<semaphore_mem>>) src(%dma_wait3A_212 : memref<1x14336xf32, #tpu.memory_space<vmem_shared>>) dst(%dma_wait3A_209 : memref<1x14336xf32, #tpu.memory_space<hbm>>)
    %dma_wait3A_213 = arith.constant 0 : i32
    %dma_wait3A_214 = tpu.memref_slice %arg4[%mul3A_2, %dma_wait3A_213] : memref<8192x14336xf32, #tpu.memory_space<hbm>> -> memref<1x14336xf32, #tpu.memory_space<hbm>>
    %dma_wait3A_215 = arith.constant 0 : i32
    %dma_wait3A_216 = arith.constant 0 : i32
    %dma_wait3A_217 = tpu.memref_slice %arg6[%dma_wait3A_215, %dma_wait3A_216] : memref<128x14336xf32, #tpu.memory_space<vmem_shared>> -> memref<1x14336xf32, #tpu.memory_space<vmem_shared>>
    tpu.wait_dma2 semaphore(%arg22 : memref<!tpu.dma_semaphore, #tpu.memory_space<semaphore_mem>>) src(%dma_wait3A_217 : memref<1x14336xf32, #tpu.memory_space<vmem_shared>>) dst(%dma_wait3A_214 : memref<1x14336xf32, #tpu.memory_space<hbm>>)
    return
  }
}

</mosaic_0001>

<sc_bundles>
// kernel: kernel.3.cloned.1.call-start
scs
__scs_entry_jumppad:
0x0: {  	(pc) =	sbr.rel $0x88, $3  }
0x1: {  	(tag) =	ssettag $0x0;
	lr =	simm.s32 $0x1  }
0x2: {  	[smem:$0x3F9F] =	sst lr;
	_ =	strace $0xD0000000  }
0x3: {  	_ = 	snop  }
0x4: {  	_ = 	snop  }
0x5: {  	_ = 	snop  }
0x6: {  	_ = 	snop  }
0x7: {  	_ = 	snop  }
__scs_overlays_trampoline_lowered:
0x8: {  	[smem:$0x3FAE] =	sst s0  }
0x9: {  	[smem:$0x3FAF] =	sst s1  }
0xa: {  	[smem:$0x3FB0] =	sst s2  }
0xb: {  	[smem:$0x3FB1] =	sst s3  }
0xc: {  	[smem:$0x3FB2] =	sst s4  }
0xd: {  	[smem:$0x3FB3] =	sst s5  }
0xe: {  	[smem:$0x3FB4] =	sst s6  }
0xf: {  	[smem:$0x3FB5] =	sst s7  }
0x10: {  	[smem:$0x3FB6] =	sst s8  }
0x11: {  	[smem:$0x3FB7] =	sst s9;
	s0 =	simm.s32 @!p0 $0x0  }
0x12: {  	s1 =	sld [smem:$0x3F9D];
	s0 =	simm.s32 @p0 $0x1  }
0x13: {  	[smem:$0x3FB8] =	sst s0;
	s0 =	simm.s32 @!p1 $0x0  }
0x14: {  	s2 =	sld [smem:$0x3F9C];
	s0 =	simm.s32 @p1 $0x1  }
0x15: {  	[smem:$0x3FB9] =	sst s0;
	s0 =	simm.s32 @!p2 $0x0  }
0x16: {  	s3 =	sld [smem:$0x3FDB];
	s0 =	simm.s32 @p2 $0x1  }
0x17: {  	s4 =	simm.s32 $0x1BF5;
	[smem:$0x3FBB] =	sst s0  }
0x18: {  	s0 =	sld [smem:$0x3F9E];
	_ =	swait.ge [sflag:s4], $0x0  }
0x19: {  	s7 =	sld [smem:$0x3F9F]  }
0x1a: {  	s8 =	sadd.s32 $0xFFFFE003, lr  }
0x1b: {  	s9 =	sadd.s32 $0xFFFFFEF7, lr;
	s5 =	simm.s32 $0xFFFFFFFF;
	p2 =	slt.u32 s8, $0xFFFFF086  }
0x1c: {  	p1 =	slt.u32 s9, $0xF7A;
	s5 =	simm.s32 @!p2 $0x0  }
0x1d: {  	s5 =	simm.s32 @p1 $0x1;
	p0 =	seq.s32 s7, s2  }
0x1e: {  	s7 =	smul.u32 @!p0 $0xF7A, s2;
	p2 =	seq.s32 @!p0 s5, $0x0  }
0x1f: {  	s9 =	smul.u32 $0xF7A, s1;
	s8 =	simm.s32 @!p0 $0x1BF5;
	p2 =	por !p2, p0  }
0x20: {  	[sflag:s8] =	ssyncset.s32 @!p0 $0xFFFFF086;
	s6 =	sadd.s32 @!p0 s3, s7;
	s7 =	simm.s32 @!p0 $0x108  }
0x21: {  	s3 =	sadd.s32 s3, s9;
	s6 =	sadd.s32 @!p0 $0x88, s6;
	s7 =	simm.s32 @p2 $0x1082  }
0x22: {  	[simem:s7], [sflag:s8] =	dma.local @!p0 [hbm:s6], $0xF7A  }
0x23: {  	s9 =	sor.u32 $0xD0000000, s2;
	s6 =	simm.s32 $0x108;
	_ =	swait.ge @!p0 [sflag:s8], $0x0  }
0x24: {  	s3 =	sadd.s32 $0x88, s3;
	s6 =	simm.s32 @!p1 $0x1082;
	[sflag:s4] =	ssyncset.s32 $0xFFFFF086  }
0x25: {  	[simem:s6], [sflag:s4] =	dma.local [hbm:s3], $0xF7A  }
0x26: {  	[smem:$0x3F9F] =	sst s1;
	(tag) =	ssettag s2;
	_ =	strace s9  }
0x27: {  	s1 =	sld [smem:$0x3FAF]  }
0x28: {  	s2 =	sld [smem:$0x3FB0]  }
0x29: {  	s4 =	sld [smem:$0x3FB2]  }
0x2a: {  	p0 =	seq.s32 s5, $0x0;
	s5 =	sld [smem:$0x3FB3]  }
0x2b: {  	s6 =	sld [smem:$0x3FB4]  }
0x2c: {  	s7 =	sld [smem:$0x3FB5]  }
0x2d: {  	s3 =	simm.s32 $0x108;
	s8 =	sld [smem:$0x3FB6]  }
0x2e: {  	s3 =	simm.s32 @!p0 $0x1082;
	s9 =	sld [smem:$0x3FB7]  }
0x2f: {  	lr =	sadd.s32 s0, s3;
	s0 =	sld [smem:$0x3FAE]  }
0x30: {  	s3 =	sld [smem:$0x3FB1]  }
0x31: {  	[smem:$0x3FBA] =	sst s10  }
0x32: {  	s10 =	sld [smem:$0x3FB8];
	_ =	sdelay $0x3  }
0x33: {  	p0 =	seq.s32 s10, $0x1;
	s10 =	sld [smem:$0x3FBA];
	_ =	sdelay $0x3  }
0x34: {  	[smem:$0x3FBA] =	sst s10  }
0x35: {  	s10 =	sld [smem:$0x3FB9];
	_ =	sdelay $0x3  }
0x36: {  	p1 =	seq.s32 s10, $0x1;
	s10 =	sld [smem:$0x3FBA];
	_ =	sdelay $0x3  }
0x37: {  	[smem:$0x3FBA] =	sst s10  }
0x38: {  	s10 =	sld [smem:$0x3FBB]  }
0x39: {  	_ = 	snop;
	(pc) =	sbr.ind lr, $3  }
0x3a: {  	_ = 	snop  }
0x3b: {  	_ = 	snop  }
0x3c: {  	p2 =	seq.s32 s10, $0x1;
	s10 =	sld [smem:$0x3FBA]  }
0x3d: {  	_ =	shalt  }
0x3e: {  	_ =	shalt  }
0x3f: {  	_ =	shalt  }
0x40: {  	_ =	shalt  }
0x41: {  	_ =	shalt  }
0x42: {  	_ =	shalt  }
0x43: {  	_ =	shalt  }
0x44: {  	_ =	shalt  }
0x45: {  	_ =	shalt  }
0x46: {  	_ =	shalt  }
0x47: {  	_ =	shalt  }
0x48: {  	_ =	shalt  }
0x49: {  	_ =	shalt  }
0x4a: {  	_ =	shalt  }
0x4b: {  	_ =	shalt  }
0x4c: {  	_ =	shalt  }
0x4d: {  	_ =	shalt  }
0x4e: {  	_ =	shalt  }
0x4f: {  	_ =	shalt  }
0x50: {  	_ =	shalt  }
0x51: {  	_ =	shalt  }
0x52: {  	_ =	shalt  }
0x53: {  	_ =	shalt  }
0x54: {  	_ =	shalt  }
0x55: {  	_ =	shalt  }
0x56: {  	_ =	shalt  }
0x57: {  	_ =	shalt  }
0x58: {  	_ =	shalt  }
0x59: {  	_ =	shalt  }
0x5a: {  	_ =	shalt  }
0x5b: {  	_ =	shalt  }
0x5c: {  	_ =	shalt  }
0x5d: {  	_ =	shalt  }
0x5e: {  	_ =	shalt  }
0x5f: {  	_ =	shalt  }
0x60: {  	_ =	shalt  }
0x61: {  	_ =	shalt  }
0x62: {  	_ =	shalt  }
0x63: {  	_ =	shalt  }
0x64: {  	_ =	shalt  }
0x65: {  	_ =	shalt  }
0x66: {  	_ =	shalt  }
0x67: {  	_ =	shalt  }
0x68: {  	_ =	shalt  }
0x69: {  	_ =	shalt  }
0x6a: {  	_ =	shalt  }
0x6b: {  	_ =	shalt  }
0x6c: {  	_ =	shalt  }
0x6d: {  	_ =	shalt  }
0x6e: {  	_ =	shalt  }
0x6f: {  	_ =	shalt  }
0x70: {  	_ =	shalt  }
0x71: {  	_ =	shalt  }
0x72: {  	_ =	shalt  }
0x73: {  	_ =	shalt  }
0x74: {  	_ =	shalt  }
0x75: {  	_ =	shalt  }
0x76: {  	_ =	shalt  }
0x77: {  	_ =	shalt  }
0x78: {  	_ =	shalt  }
0x79: {  	_ =	shalt  }
0x7a: {  	_ =	shalt  }
0x7b: {  	_ =	shalt  }
0x7c: {  	_ =	shalt  }
0x7d: {  	_ =	shalt  }
0x7e: {  	_ =	shalt  }
0x7f: {  	_ =	shalt  }
0x80: {  	_ =	shalt  }
0x81: {  	_ =	shalt  }
0x82: {  	_ =	shalt  }
0x83: {  	_ =	shalt  }
0x84: {  	_ =	shalt  }
0x85: {  	_ =	shalt  }
0x86: {  	_ =	shalt  }
0x87: {  	_ =	shalt  }
.Lfunc_end0:
.L_simem_size_0:
called_computation_lowered:
.L_overlay_start_0:
0x88: {  	s2 =	sld [smem:$0x3FD9]  }
0x89: {  	s3 =	sld [smem:$0x3FFE];
	_ =	sdelay $0x1  }
0x8a: {  	s1 =	srdreg.scid  }
0x8b: {  	s0 =	sand.u32 $0x1, s1  }
0x8c: {  	s18 =	sshll.u32 s0, $0xA;
	s2 =	sadd.s32 s3, s2  }
0x8d: {  	s2 =	sadd.s32 s2, s18  }
0x8e: {  	[smem:$0x3FC6] =	sst s2  }
0x8f: {  	_ = 	snop  }
0x90: {  	s2 =	sld [smem:$0x3FC9]  }
0x91: {  	s19 =	sld [smem:$0x3FC8]  }
0x92: {  	s4 =	sld [smem:$0x3FD0];
	(tm) =	ssettm $0x1  }
0x93: {  	s5 =	sld [smem:$0x3FFB];
	_ =	sdelay $0x3  }
0x94: {  	_ =	strace s5  }
0x95: {  	s5 =	sld [smem:$0x3FFC];
	_ =	sdelay $0x3  }
0x96: {  	_ =	strace s5  }
0x97: {  	s5 =	sld [smem:$0x3FFD];
	_ =	sdelay $0x3  }
0x98: {  	_ =	strace s5  }
0x99: {  	_ =	strace $0x8FFFFFFF  }
0x9a: {  	s20 =	sld [smem:$0x3FDB];
	_ =	sdelay $0x1  }
0x9b: {  	s6 =	simm.s32 $_scs_section_size  }
0x9c: {  	s7 =	simm.s32 $_size__tile_overlayer_lowered;
	s8 =	simm.s32 $_tile_overlayer_lowered  }
0x9d: {  	s23 =	simm.s32 $0x1BFF;
	s22 =	sshll.u32 s8, $0x1;
	s5 =	sadd.s32 s6, s20  }
0x9e: {  	s9 =	simm.s32 $0x0;
	s21 =	sshll.u32 s7, $0x1;
	s7 =	sadd.s32 s22, s5  }
0x9f: {  	[timem:s9], [sflag:s23] =	dma.local [hbm:s7], s21  }
0xa0: {  	_ =	swait.ge [sflag:s23], s21  }
0xa1: {  	s6 =	ssub.s32 $0x0, s21;
	[sflag:s23] =	ssyncset.done $0x0  }
0xa2: {  	[sflag:s23] =	ssyncadd.s32 s6;
	_ =	sdelay $0x1  }
0xa3: {  	s24 =	simm.s32 $0x1B8B  }
0xa4: {  	_ =	swait.ge [sflag:s24], $0x1  }
0xa5: {  	[sflag:s24] =	ssyncset.done $0x0  }
0xa6: {  	s25 =	simm.s32 $0x1B8E;
	[sflag:s24] =	ssyncadd.s32 $0xFFFFFFFF  }
0xa7: {  	s26 =	simm.s32 $execute0_lowered;
	[smem:$0x3FD2] =	sst s25  }
0xa8: {  	s6 =	sshll.u32 s26, $0x1;
	_ =	strace $0x80000046;
	[dreg:$0x1] =	wrdreg $0xFFFFFFFF  }
0xa9: {  	s28 =	simm.s32 $_size_execute0_lowered;
	s5 =	sadd.s32 s5, s6;
	[dreg:$0x0] =	wrdreg $0x0  }
0xaa: {  	s6 =	sshll.u32 s28, $0x1;
	[dreg:$0x2] =	wrdreg s5  }
0xab: {  	[dreg:$0x3] =	wrdreg s6  }
0xac: {  	[dreg:$0x4] =	wrdreg $0xC0  }
0xad: {  	_ =	task [dreg:s9], $0x5FFFF  }
0xae: {  	[dreg:$0x1] =	wrdreg $0xFFFFFFFF  }
0xaf: {  	[dreg:$0x0] =	wrdreg $0x60  }
0xb0: {  	[dreg:$0x2] =	wrdreg s19  }
0xb1: {  	[dreg:$0x3] =	wrdreg s2  }
0xb2: {  	[dreg:$0x4] =	wrdreg s4  }
0xb3: {  	[dreg:$0x5] =	wrdreg $0x1000  }
0xb4: {  	[dreg:$0x6] =	wrdreg $0x9  }
0xb5: {  	_ =	task.clear_ibuf [dreg:s9], $0x7FFFF;
	_ =	strace $0x90000046  }
0xb6: {  	s29 =	simm.s32 $0x9;
	_ =	strace $0x80000048  }
0xb7: {  	_ =	swait.ge [sflag:s29], $0x1  }
0xb8: {  	[sflag:s29] =	ssyncadd.s32 $0xFFFFFFFF  }
0xb9: {  	_ =	strace $0x90000048  }
0xba: {  	_ =	sfence  }
0xbb: {  	s30 =	sld [smem:$0x0];
	_ =	sdelay $0x2  }
0xbc: {  	s31 =	sshll.u32 s1, $0xD;
	s1 =	sshrl.u32 s1, $0x2  }
0xbd: {  	s3 =	sand.u32 $0x4000, s31;
	s1 =	sadd.s32 s1, s30  }
0xbe: {  	s0 =	sor.u32 s3, s0;
	s1 =	sshll.u32 s1, $0x11  }
0xbf: {  	s0 =	sor.u32 s1, s0  }
0xc0: {  	s0 =	sadd.s32 $0x8F2B, s0  }
0xc1: {  	[sflag:s0] =	ssyncadd.remote.s32 $0x1  }
0xc2: {  	_ =	sfence.sel $0xFFFF  }
0xc3: {  	[dreg:$0x0] =	wrdreg $0xFFFFFFFF;
	(pc) =	sbr.abs _section_cstart, $3  }
0xc4: {  	[dreg:$0x1] =	wrdreg $0xFFFFFFFF  }
0xc5: {  	_ =	task.clear_ibuf [dreg:s9], $0x2FFFF;
	_ =	strace $0x9FFFFFFF  }
0xc6: {  	(tm) =	ssettm $0x7FFFFFFF  }
0xc7: {  	_ =	shalt  }
tec
execute0_lowered:
.L_overlay_start_1:
0x0: {  	(tag) =	ssettag $0x1  }
0x1: {  	s0 =	rddreg [dreg:$0x0]  }
0x2: {  	s1 =	rddreg [dreg:$0x1]  }
0x3: {  	s3 =	rddreg [dreg:$0x2];
	s4 =	srdreg.scid  }
0x4: {  	s2 =	rddreg [dreg:$0x3];
	s11 =	stileid.u32;
	s7 =	simm.s32 $0x0  }
0x5: {  	s4 =	sand.u32 $0x1, s4;
	s5 =	sshll.u32 s11, $0x9;
	s23 =	smul.u32 $0x1C000, s11  }
0x6: {  	[smem:$0x7FF] =	sst s7;
	s25 =	sshll.u32 s11, $0x6;
	s6 =	sshll.u32 s4, $0x8  }
0x7: {  	_ =	strace $0x80000047;
	[dreg:$0x14] =	wrdreg s25;
	s5 =	sor.u32 s6, s5  }
0x8: {  	s9 =	sshrl.u32 s23, $0x3;
	s6 =	sor.u32 $0x1C11, s25;
	s24 =	sshrl.u32 s5, $0x3  }
0x9: {  	s0 =	sadd.s32 s0, s9;
	[dreg:$0x16] =	wrdreg s6;
	s10 =	smul.u32 $0x3800, s24  }
0xa: {  	[dreg:$0x13] =	wrdreg s0;
	s0 =	sadd.s32 s23, s2;
	s1 =	sadd.s32 s1, s24  }
0xb: {  	[dreg:$0x17] =	wrdreg s1;
	s0 =	sshrl.u32 s0, $0x3  }
0xc: {  	s26 =	sadd.s32 s3, s10;
	[smem:$0x7FD] =	sst s0  }
0xd: {  	s9 =	sadd.s32 $0x10, s26;
	[dreg:$0x15] =	wrdreg s26  }
0xe: {  	s10 =	sadd.s32 $0x20, s26;
	[dreg:$0x18] =	wrdreg s9  }
0xf: {  	s11 =	sadd.s32 $0x30, s26;
	[dreg:$0x19] =	wrdreg s10  }
0x10: {  	s28 =	simm.s32 $0x1;
	s12 =	sadd.s32 $0x40, s26;
	[dreg:$0x1a] =	wrdreg s11  }
0x11: {  	s29 =	simm.s32 $0x80;
	s13 =	sadd.s32 $0x50, s26;
	[dreg:$0x1b] =	wrdreg s12  }
0x12: {  	s30 =	simm.s32 $0x9;
	s14 =	sadd.s32 $0x60, s26;
	[dreg:$0x1c] =	wrdreg s13  }
0x13: {  	s31 =	simm.s32 $0xA;
	s16 =	sadd.s32 $0x70, s26;
	[dreg:$0x1d] =	wrdreg s14  }
0x14: {  	s4 =	ssub.s32 $0x2, s4;
	s17 =	sadd.s32 $0x3800, s26;
	[dreg:$0x1e] =	wrdreg s16  }
0x15: {  	s8 =	sshrl.u32 s4, $0x1;
	s18 =	sadd.s32 $0x3810, s26;
	[dreg:$0x1f] =	wrdreg s17  }
0x16: {  	s15 =	sor.u32 $0x18, s5;
	s19 =	sadd.s32 $0x3820, s26;
	[smem:$0x7F5] =	sst s18  }
0x17: {  	s5 =	sor.u32 $0x10, s5;
	s20 =	sadd.s32 $0x3830, s26;
	[smem:$0x7F6] =	sst s19  }
0x18: {  	s5 =	sshrl.u32 s5, $0x3;
	s21 =	sadd.s32 $0x3840, s26;
	[smem:$0x7F7] =	sst s20  }
0x19: {  	s5 =	smul.u32 $0x3800, s5;
	s22 =	sadd.s32 $0x3850, s26;
	[smem:$0x7F8] =	sst s21  }
0x1a: {  	s4 =	ssub.s32 s4, s8;
	s24 =	sadd.s32 $0x3860, s26;
	[smem:$0x7F9] =	sst s22  }
0x1b: {  	s1 =	sshrl.u32 s15, $0x3;
	s23 =	sadd.s32 s5, s3;
	[smem:$0x7FA] =	sst s24  }
0x1c: {  	s1 =	smul.u32 $0x3800, s1;
	s25 =	sadd.s32 $0x3870, s26;
	[dreg:$0x6] =	wrdreg s23  }
0x1d: {  	s7 =	simm.s32 $0xB;
	s26 =	smax.u32 s4, $0x1;
	[smem:$0x7FB] =	sst s25  }
0x1e: {  	s8 =	simm.s32 $0x8;
	s1 =	sadd.s32 s1, s3;
	[smem:$0x7FC] =	sst s26  }
0x1f: {  	s9 =	simm.s32 $0x10;
	s12 =	simm.s32 $0xC;
	s13 =	simm.s32 $0xD  }
0x20: {  	s14 =	simm.s32 $0xE;
	[dreg:$0x5] =	wrdreg s1;
	s1 =	simm.s32 $0x0  }
.LBB2_1:
0x21: {  	[smem:$0x7F2] =	sst s1  }
0x22: {  	s3 =	sld [smem:$0x7FD]  }
0x23: {  	s0 =	rddreg [dreg:$0x13]  }
0x24: {  	s18 =	rddreg [dreg:$0x16];
	s19 =	simm.s32 $0x11  }
0x25: {  	[spmem:s3], [sflag:s18] =	dma.local [hbm:s0], $0x3800  }
0x26: {  	_ =	swait.ge [sflag:s19], $0x3800  }
0x27: {  	[sflag:s19] =	ssyncset.done $0x0  }
0x28: {  	s20 =	simm.s32 $0x0;
	s21 =	rddreg [dreg:$0x17];
	[sflag:s19] =	ssyncadd.s32 $0xFFFFC800  }
0x29: {  	[tilespmem:s20], [sflag:$0x11] =	stream.linear.gather [hbm4b:s21+s20], $0x100, $0x38;
	[tilespmem:$0x1C100] =	vst v63  }
0x2a: {  	_ =	swait.ge [sflag:s19], $0x100  }
0x2b: {  	[sflag:s19] =	ssyncset.done $0x0  }
0x2c: {  	[sflag:s19] =	ssyncadd.s32 $0xFFFFFF00  }
0x2d: {  	[bflag:$0x0] =	sbarrier.arrive $0xFFFF  }
0x2e: {  	v0 =	vld [tilespmem:$0x0];
	_ =	sdelay $0x4  }
0x2f: {  	(v2sf) =	vpush v0, $0x0;
	_ =	sdelay $0xe  }
0x30: {  	s5 =	spop (v2sf)  }
0x31: {  	s6 =	sshrl.u32 s5, $0x3  }
0x32: {  	s6 =	smul.u32 $0x70000, s6;
	_ =	sdelay $0x1  }
0x33: {  	s5 =	sshll.u32 s5, $0x7;
	s6 =	sshra.s32 s6, $0x2  }
0x34: {  	s5 =	sand.u32 $0x380, s5;
	s6 =	sadd.s32 s6, s2  }
0x35: {  	s0 =	rddreg [dreg:$0x14];
	s5 =	sadd.s32 s5, s6  }
0x36: {  	s22 =	rddreg [dreg:$0x15];
	s3 =	sor.u32 $0x1C01, s0;
	s5 =	sshrl.u32 s5, $0x3  }
0x37: {  	[hbm:s22@s29], [sflag:s3] =	dma.strided [spmem:s5@s29], $0x700, s28, $0x10   }
0x38: {  	(v2sf) =	vpush v0, $0x1;
	_ =	sdelay $0xe  }
0x39: {  	s5 =	spop (v2sf)  }
0x3a: {  	s23 =	sshrl.u32 s5, $0x3  }
0x3b: {  	s6 =	smul.u32 $0x70000, s23;
	_ =	sdelay $0x1  }
0x3c: {  	s5 =	sshll.u32 s5, $0x7;
	s6 =	sshra.s32 s6, $0x2  }
0x3d: {  	s5 =	sand.u32 $0x380, s5;
	s6 =	sadd.s32 s6, s2  }
0x3e: {  	s5 =	sadd.s32 s5, s6  }
0x3f: {  	s4 =	sor.u32 $0x1C02, s0;
	s1 =	rddreg [dreg:$0x18];
	s5 =	sshrl.u32 s5, $0x3  }
0x40: {  	[hbm:s1@s29], [sflag:s4] =	dma.strided [spmem:s5@s29], $0x700, s28, $0x10   }
0x41: {  	(v2sf) =	vpush v0, $0x2;
	_ =	sdelay $0xe  }
0x42: {  	s5 =	spop (v2sf)  }
0x43: {  	s24 =	sshrl.u32 s5, $0x3  }
0x44: {  	s6 =	smul.u32 $0x70000, s24;
	_ =	sdelay $0x1  }
0x45: {  	s5 =	sshll.u32 s5, $0x7;
	s6 =	sshra.s32 s6, $0x2  }
0x46: {  	s5 =	sand.u32 $0x380, s5;
	s6 =	sadd.s32 s6, s2  }
0x47: {  	s5 =	sadd.s32 s5, s6  }
0x48: {  	s26 =	sor.u32 $0x1C03, s0;
	s1 =	rddreg [dreg:$0x19];
	s5 =	sshrl.u32 s5, $0x3  }
0x49: {  	[hbm:s1@s29], [sflag:s26] =	dma.strided [spmem:s5@s29], $0x700, s28, $0x10   }
0x4a: {  	(v2sf) =	vpush v0, $0x3;
	_ =	sdelay $0xe  }
0x4b: {  	s5 =	spop (v2sf)  }
0x4c: {  	s25 =	sshrl.u32 s5, $0x3  }
0x4d: {  	s6 =	smul.u32 $0x70000, s25;
	_ =	sdelay $0x1  }
0x4e: {  	s5 =	sshll.u32 s5, $0x7;
	s6 =	sshra.s32 s6, $0x2  }
0x4f: {  	s5 =	sand.u32 $0x380, s5;
	s6 =	sadd.s32 s6, s2  }
0x50: {  	s5 =	sadd.s32 s5, s6  }
0x51: {  	s10 =	sor.u32 $0x1C04, s0;
	s1 =	rddreg [dreg:$0x1a];
	s5 =	sshrl.u32 s5, $0x3  }
0x52: {  	[hbm:s1@s29], [sflag:s10] =	dma.strided [spmem:s5@s29], $0x700, s28, $0x10   }
0x53: {  	(v2sf) =	vpush v0, $0x4;
	_ =	sdelay $0xe  }
0x54: {  	s5 =	spop (v2sf)  }
0x55: {  	s1 =	sshrl.u32 s5, $0x3  }
0x56: {  	s6 =	smul.u32 $0x70000, s1;
	_ =	sdelay $0x1  }
0x57: {  	s5 =	sshll.u32 s5, $0x7;
	s6 =	sshra.s32 s6, $0x2  }
0x58: {  	s11 =	sor.u32 $0x1C05, s0;
	s5 =	sand.u32 $0x380, s5;
	s6 =	sadd.s32 s6, s2  }
0x59: {  	[smem:$0x7F3] =	sst s11;
	s5 =	sadd.s32 s5, s6  }
0x5a: {  	s1 =	rddreg [dreg:$0x1b];
	s5 =	sshrl.u32 s5, $0x3  }
0x5b: {  	[hbm:s1@s29], [sflag:s11] =	dma.strided [spmem:s5@s29], $0x700, s28, $0x10   }
0x5c: {  	(v2sf) =	vpush v0, $0x5;
	_ =	sdelay $0xe  }
0x5d: {  	s5 =	spop (v2sf)  }
0x5e: {  	s15 =	sshrl.u32 s5, $0x3  }
0x5f: {  	s6 =	smul.u32 $0x70000, s15;
	_ =	sdelay $0x1  }
0x60: {  	s5 =	sshll.u32 s5, $0x7;
	s6 =	sshra.s32 s6, $0x2  }
0x61: {  	s5 =	sand.u32 $0x380, s5;
	s6 =	sadd.s32 s6, s2  }
0x62: {  	s5 =	sadd.s32 s5, s6  }
0x63: {  	s11 =	sor.u32 $0x1C06, s0;
	s1 =	rddreg [dreg:$0x1c];
	s5 =	sshrl.u32 s5, $0x3  }
0x64: {  	[hbm:s1@s29], [sflag:s11] =	dma.strided [spmem:s5@s29], $0x700, s28, $0x10   }
0x65: {  	(v2sf) =	vpush v0, $0x6;
	_ =	sdelay $0xe  }
0x66: {  	s5 =	spop (v2sf)  }
0x67: {  	s16 =	sshrl.u32 s5, $0x3  }
0x68: {  	s6 =	smul.u32 $0x70000, s16;
	_ =	sdelay $0x1  }
0x69: {  	s5 =	sshll.u32 s5, $0x7;
	s6 =	sshra.s32 s6, $0x2  }
0x6a: {  	s17 =	sor.u32 $0x1C07, s0;
	s5 =	sand.u32 $0x380, s5;
	s6 =	sadd.s32 s6, s2  }
0x6b: {  	[smem:$0x7F4] =	sst s17;
	s5 =	sadd.s32 s5, s6  }
0x6c: {  	s1 =	rddreg [dreg:$0x1d];
	s5 =	sshrl.u32 s5, $0x3  }
0x6d: {  	[hbm:s1@s29], [sflag:s17] =	dma.strided [spmem:s5@s29], $0x700, s28, $0x10   }
0x6e: {  	(v2sf) =	vpush v0, $0x7;
	_ =	sdelay $0xe  }
0x6f: {  	s5 =	spop (v2sf)  }
0x70: {  	s18 =	sshrl.u32 s5, $0x3  }
0x71: {  	s6 =	smul.u32 $0x70000, s18;
	_ =	sdelay $0x1  }
0x72: {  	s5 =	sshll.u32 s5, $0x7;
	s6 =	sshra.s32 s6, $0x2  }
0x73: {  	s19 =	sor.u32 $0x1C08, s0;
	s5 =	sand.u32 $0x380, s5;
	s6 =	sadd.s32 s6, s2  }
0x74: {  	[dreg:$0xa] =	wrdreg s19;
	s5 =	sadd.s32 s5, s6  }
0x75: {  	s1 =	rddreg [dreg:$0x1e];
	s5 =	sshrl.u32 s5, $0x3  }
0x76: {  	[hbm:s1@s29], [sflag:s19] =	dma.strided [spmem:s5@s29], $0x700, s28, $0x10   }
0x77: {  	(v2sf) =	vpush v0, $0x8;
	_ =	sdelay $0xe  }
0x78: {  	s5 =	spop (v2sf)  }
0x79: {  	s20 =	sshrl.u32 s5, $0x3  }
0x7a: {  	s6 =	smul.u32 $0x70000, s20;
	_ =	sdelay $0x1  }
0x7b: {  	s5 =	sshll.u32 s5, $0x7;
	s6 =	sshra.s32 s6, $0x2  }
0x7c: {  	s21 =	sor.u32 $0x1C09, s0;
	s5 =	sand.u32 $0x380, s5;
	s6 =	sadd.s32 s6, s2  }
0x7d: {  	[dreg:$0xb] =	wrdreg s21;
	s5 =	sadd.s32 s5, s6  }
0x7e: {  	s1 =	rddreg [dreg:$0x1f];
	s5 =	sshrl.u32 s5, $0x3  }
0x7f: {  	[hbm:s1@s29], [sflag:s21] =	dma.strided [spmem:s5@s29], $0x700, s28, $0x10   }
0x80: {  	(v2sf) =	vpush v0, $0x9;
	_ =	sdelay $0xe  }
0x81: {  	s5 =	spop (v2sf)  }
0x82: {  	s22 =	sshrl.u32 s5, $0x3  }
0x83: {  	s6 =	smul.u32 $0x70000, s22;
	_ =	sdelay $0x1  }
0x84: {  	s5 =	sshll.u32 s5, $0x7;
	s6 =	sshra.s32 s6, $0x2  }
0x85: {  	s1 =	sld [smem:$0x7F5];
	s5 =	sand.u32 $0x380, s5;
	s6 =	sadd.s32 s6, s2  }
0x86: {  	s23 =	sor.u32 $0x1C0A, s0;
	s5 =	sadd.s32 s5, s6  }
0x87: {  	[dreg:$0xc] =	wrdreg s23;
	s5 =	sshrl.u32 s5, $0x3  }
0x88: {  	[hbm:s1@s29], [sflag:s23] =	dma.strided [spmem:s5@s29], $0x700, s28, $0x10   }
0x89: {  	(v2sf) =	vpush v0, $0xA;
	_ =	sdelay $0xe  }
0x8a: {  	s5 =	spop (v2sf)  }
0x8b: {  	s24 =	sshrl.u32 s5, $0x3  }
0x8c: {  	s6 =	smul.u32 $0x70000, s24;
	_ =	sdelay $0x1  }
0x8d: {  	s5 =	sshll.u32 s5, $0x7;
	s6 =	sshra.s32 s6, $0x2  }
0x8e: {  	s1 =	sld [smem:$0x7F6];
	s5 =	sand.u32 $0x380, s5;
	s6 =	sadd.s32 s6, s2  }
0x8f: {  	s25 =	sor.u32 $0x1C0B, s0;
	s5 =	sadd.s32 s5, s6  }
0x90: {  	[dreg:$0xd] =	wrdreg s25;
	s5 =	sshrl.u32 s5, $0x3  }
0x91: {  	[hbm:s1@s29], [sflag:s25] =	dma.strided [spmem:s5@s29], $0x700, s28, $0x10   }
0x92: {  	(v2sf) =	vpush v0, $0xB;
	_ =	sdelay $0xe  }
0x93: {  	s5 =	spop (v2sf)  }
0x94: {  	s1 =	sshrl.u32 s5, $0x3  }
0x95: {  	s6 =	smul.u32 $0x70000, s1;
	_ =	sdelay $0x1  }
0x96: {  	s5 =	sshll.u32 s5, $0x7;
	s6 =	sshra.s32 s6, $0x2  }
0x97: {  	s5 =	sand.u32 $0x380, s5;
	s1 =	sld [smem:$0x7F7];
	s6 =	sadd.s32 s6, s2  }
0x98: {  	s15 =	sor.u32 $0x1C0C, s0;
	s5 =	sadd.s32 s5, s6  }
0x99: {  	[dreg:$0x12] =	wrdreg s15;
	s5 =	sshrl.u32 s5, $0x3  }
0x9a: {  	[hbm:s1@s29], [sflag:s15] =	dma.strided [spmem:s5@s29], $0x700, s28, $0x10   }
0x9b: {  	(v2sf) =	vpush v0, $0xC;
	_ =	sdelay $0xe  }
0x9c: {  	s5 =	spop (v2sf)  }
0x9d: {  	s16 =	sshrl.u32 s5, $0x3  }
0x9e: {  	s6 =	smul.u32 $0x70000, s16;
	_ =	sdelay $0x1  }
0x9f: {  	s5 =	sshll.u32 s5, $0x7;
	s6 =	sshra.s32 s6, $0x2  }
0xa0: {  	s1 =	sld [smem:$0x7F8];
	s5 =	sand.u32 $0x380, s5;
	s6 =	sadd.s32 s6, s2  }
0xa1: {  	s17 =	sor.u32 $0x1C0D, s0;
	s5 =	sadd.s32 s5, s6  }
0xa2: {  	[dreg:$0x11] =	wrdreg s17;
	s5 =	sshrl.u32 s5, $0x3  }
0xa3: {  	[hbm:s1@s29], [sflag:s17] =	dma.strided [spmem:s5@s29], $0x700, s28, $0x10   }
0xa4: {  	(v2sf) =	vpush v0, $0xD;
	_ =	sdelay $0xe  }
0xa5: {  	s5 =	spop (v2sf)  }
0xa6: {  	s18 =	sshrl.u32 s5, $0x3  }
0xa7: {  	s6 =	smul.u32 $0x70000, s18;
	_ =	sdelay $0x1  }
0xa8: {  	s5 =	sshll.u32 s5, $0x7;
	s6 =	sshra.s32 s6, $0x2  }
0xa9: {  	s1 =	sld [smem:$0x7F9];
	s5 =	sand.u32 $0x380, s5;
	s6 =	sadd.s32 s6, s2  }
0xaa: {  	s19 =	sor.u32 $0x1C0E, s0;
	s5 =	sadd.s32 s5, s6  }
0xab: {  	[dreg:$0xf] =	wrdreg s19;
	s5 =	sshrl.u32 s5, $0x3  }
0xac: {  	[hbm:s1@s29], [sflag:s19] =	dma.strided [spmem:s5@s29], $0x700, s28, $0x10   }
0xad: {  	(v2sf) =	vpush v0, $0xE;
	_ =	sdelay $0xe  }
0xae: {  	s5 =	spop (v2sf)  }
0xaf: {  	s20 =	sshrl.u32 s5, $0x3  }
0xb0: {  	s6 =	smul.u32 $0x70000, s20;
	_ =	sdelay $0x1  }
0xb1: {  	s5 =	sshll.u32 s5, $0x7;
	s6 =	sshra.s32 s6, $0x2  }
0xb2: {  	s1 =	sld [smem:$0x7FA];
	s5 =	sand.u32 $0x380, s5;
	s6 =	sadd.s32 s6, s2  }
0xb3: {  	s21 =	sor.u32 $0x1C0F, s0;
	s5 =	sadd.s32 s5, s6  }
0xb4: {  	[dreg:$0xe] =	wrdreg s21;
	s5 =	sshrl.u32 s5, $0x3  }
0xb5: {  	[hbm:s1@s29], [sflag:s21] =	dma.strided [spmem:s5@s29], $0x700, s28, $0x10   }
0xb6: {  	(v2sf) =	vpush v0, $0xF;
	_ =	sdelay $0xe  }
0xb7: {  	s5 =	spop (v2sf)  }
0xb8: {  	s22 =	sshrl.u32 s5, $0x3  }
0xb9: {  	s6 =	smul.u32 $0x70000, s22;
	_ =	sdelay $0x1  }
0xba: {  	s5 =	sshll.u32 s5, $0x7;
	s6 =	sshra.s32 s6, $0x2  }
0xbb: {  	s24 =	sld [smem:$0x7FB];
	s5 =	sand.u32 $0x380, s5;
	s6 =	sadd.s32 s6, s2  }
0xbc: {  	s23 =	sor.u32 $0x1C10, s0;
	s5 =	sadd.s32 s5, s6  }
0xbd: {  	[dreg:$0x10] =	wrdreg s23;
	s5 =	sshrl.u32 s5, $0x3  }
0xbe: {  	[hbm:s24@s29], [sflag:s23] =	dma.strided [spmem:s5@s29], $0x700, s28, $0x10   }
0xbf: {  	v0 =	vld [tilespmem:s9+$0x0];
	_ =	sdelay $0x3  }
0xc0: {  	_ =	swait.ge [sflag:s28], $0x700  }
0xc1: {  	(v2sf) =	vpush v0, $0x2  }
0xc2: {  	(v2sf) =	vpush v0, $0x1  }
0xc3: {  	(v2sf) =	vpush v0, $0x0;
	_ =	sdelay $0x4  }
0xc4: {  	(v2sf) =	vpush v0, $0x3  }
0xc5: {  	(v2sf) =	vpush v0, $0x7  }
0xc6: {  	(v2sf) =	vpush v0, $0x5;
	_ =	sdelay $0x4  }
0xc7: {  	(v2sf) =	vpush v0, $0xC  }
0xc8: {  	(v2sf) =	vpush v0, $0x4;
	s17 =	spop (v2sf)  }
0xc9: {  	[dreg:$0x7] =	wrdreg s3;
	(v2sf) =	vpush v0, $0x6;
	s18 =	spop (v2sf)  }
0xca: {  	s0 =	rddreg [dreg:$0x6];
	[sflag:s28] =	ssyncset.done $0x0;
	s25 =	spop (v2sf)  }
0xcb: {  	[sflag:s28] =	ssyncadd.s32 $0xFFFFF900;
	s5 =	sadd.s32 $0x0, s0;
	s16 =	sshrl.u32 s25, $0x3  }
0xcc: {  	s1 =	sadd.s32 $0x10, s5;
	s22 =	sshrl.u32 s17, $0x3;
	s16 =	smul.u32 $0x70000, s16  }
0xcd: {  	s17 =	sshll.u32 s17, $0x7;
	s21 =	sshrl.u32 s18, $0x3;
	s18 =	sshll.u32 s18, $0x7  }
0xce: {  	(v2sf) =	vpush v0, $0xA;
	s22 =	smul.u32 $0x70000, s22;
	s6 =	sshll.u32 s25, $0x7;
	s16 =	sshra.s32 s16, $0x2  }
0xcf: {  	s20 =	spop (v2sf);
	s19 =	sand.u32 $0x380, s6;
	s16 =	sadd.s32 s16, s2  }
0xd0: {  	s17 =	sand.u32 $0x380, s17;
	s6 =	spop (v2sf);
	s19 =	sadd.s32 s19, s16  }
0xd1: {  	s21 =	smul.u32 $0x70000, s21;
	s16 =	spop (v2sf);
	s19 =	sshrl.u32 s19, $0x3  }
0xd2: {  	[hbm:s5@s29], [sflag:s3] =	dma.strided [spmem:s19@s29], $0x700, s28, $0x10   }
0xd3: {  	s18 =	sand.u32 $0x380, s18;
	s21 =	sshra.s32 s21, $0x2;
	s3 =	simm.s32 $0x2  }
0xd4: {  	s9 =	sshra.s32 s22, $0x2;
	s21 =	sadd.s32 s21, s2;
	_ =	swait.ge [sflag:s3], $0x700  }
0xd5: {  	s15 =	sshrl.u32 s20, $0x3;
	s22 =	sadd.s32 $0x20, s5;
	s18 =	sadd.s32 s18, s21;
	(v2sf) =	vpush v0, $0xB  }
0xd6: {  	s18 =	sshrl.u32 s18, $0x3;
	s19 =	simm.s32 $0x3;
	s23 =	spop (v2sf)  }
0xd7: {  	[dreg:$0x8] =	wrdreg s4;
	[sflag:s3] =	ssyncset.done $0x0;
	s21 =	spop (v2sf)  }
0xd8: {  	[sflag:s3] =	ssyncadd.s32 $0xFFFFF900;
	s3 =	sadd.s32 $0x30, s5;
	s24 =	spop (v2sf)  }
0xd9: {  	[hbm:s1@s29], [sflag:s4] =	dma.strided [spmem:s18@s29], $0x700, s28, $0x10   }
0xda: {  	s18 =	sadd.s32 s9, s2;
	s1 =	sshll.u32 s20, $0x7;
	s4 =	simm.s32 $0x4  }
0xdb: {  	s9 =	sshrl.u32 s21, $0x3;
	s17 =	sadd.s32 s17, s18;
	_ =	swait.ge [sflag:s19], $0x700  }
0xdc: {  	s18 =	smul.u32 $0x70000, s15;
	[dreg:$0x9] =	wrdreg s26;
	s15 =	smov.u32 s10  }
0xdd: {  	[sflag:s19] =	ssyncset.done $0x0;
	s17 =	sshrl.u32 s17, $0x3;
	s25 =	spop (v2sf)  }
0xde: {  	(v2sf) =	vpush v0, $0x8;
	[sflag:s19] =	ssyncadd.s32 $0xFFFFF900;
	s18 =	sshra.s32 s18, $0x2;
	s19 =	simm.s32 $0x5  }
0xdf: {  	[hbm:s22@s29], [sflag:s26] =	dma.strided [spmem:s17@s29], $0x700, s28, $0x10   }
0xe0: {  	s18 =	sadd.s32 s18, s2;
	s17 =	sand.u32 $0x380, s1;
	s22 =	sadd.s32 $0x40, s5  }
0xe1: {  	s1 =	sshrl.u32 s16, $0x3;
	s16 =	sshll.u32 s16, $0x7;
	_ =	swait.ge [sflag:s4], $0x700  }
0xe2: {  	s17 =	sadd.s32 s17, s18;
	s18 =	smul.u32 $0x70000, s9;
	[sflag:s4] =	ssyncset.done $0x0  }
0xe3: {  	s16 =	sand.u32 $0x380, s16;
	s17 =	sshrl.u32 s17, $0x3;
	[sflag:s4] =	ssyncadd.s32 $0xFFFFF900  }
0xe4: {  	(v2sf) =	vpush v0, $0x9;
	s18 =	sshra.s32 s18, $0x2;
	s4 =	sadd.s32 $0x50, s5;
	s20 =	spop (v2sf)  }
0xe5: {  	[hbm:s3@s29], [sflag:s10] =	dma.strided [spmem:s17@s29], $0x700, s28, $0x10   }
0xe6: {  	s18 =	sadd.s32 s18, s2;
	s10 =	sshll.u32 s21, $0x7;
	s21 =	sshrl.u32 s24, $0x3  }
0xe7: {  	s24 =	sshll.u32 s24, $0x7;
	s17 =	sand.u32 $0x380, s10;
	_ =	swait.ge [sflag:s19], $0x700  }
0xe8: {  	s3 =	smul.u32 $0x70000, s21;
	s21 =	sand.u32 $0x380, s24;
	s26 =	sld [smem:$0x7F3]  }
0xe9: {  	s10 =	smov.u32 s11;
	s17 =	sadd.s32 s17, s18;
	[sflag:s19] =	ssyncset.done $0x0  }
0xea: {  	s17 =	sshrl.u32 s17, $0x3;
	[sflag:s19] =	ssyncadd.s32 $0xFFFFF900;
	s18 =	sshra.s32 s3, $0x2  }
0xeb: {  	[hbm:s22@s29], [sflag:s26] =	dma.strided [spmem:s17@s29], $0x700, s28, $0x10   }
0xec: {  	s3 =	simm.s32 $0x7;
	s18 =	sadd.s32 s18, s2;
	s17 =	smul.u32 $0x70000, s1  }
0xed: {  	s9 =	smov.u32 s26;
	s26 =	simm.s32 $0x6;
	s0 =	sadd.s32 s21, s18  }
0xee: {  	s1 =	sshrl.u32 s20, $0x3;
	_ =	swait.ge [sflag:s26], $0x700;
	s17 =	sshra.s32 s17, $0x2  }
0xef: {  	s21 =	sadd.s32 $0x60, s5;
	[sflag:s26] =	ssyncset.done $0x0;
	s17 =	sadd.s32 s17, s2  }
0xf0: {  	(v2sf) =	vpush v0, $0xD;
	s22 =	spop (v2sf);
	[sflag:s26] =	ssyncadd.s32 $0xFFFFF900;
	s16 =	sadd.s32 s16, s17  }
0xf1: {  	(v2sf) =	vpush v0, $0xE;
	s26 =	sshrl.u32 s6, $0x3;
	s6 =	sshll.u32 s6, $0x7;
	s16 =	sshrl.u32 s16, $0x3  }
0xf2: {  	[hbm:s4@s29], [sflag:s11] =	dma.strided [spmem:s16@s29], $0x700, s28, $0x10   }
0xf3: {  	s6 =	sand.u32 $0x380, s6;
	s4 =	smul.u32 $0x70000, s1;
	_ =	swait.ge [sflag:s3], $0x700  }
0xf4: {  	s16 =	sshrl.u32 s0, $0x3;
	s0 =	sshll.u32 s20, $0x7;
	s24 =	sld [smem:$0x7F4]  }
0xf5: {  	s1 =	sshrl.u32 s22, $0x3;
	s20 =	simm.s32 $0x7000;
	[sflag:s3] =	ssyncset.done $0x0  }
0xf6: {  	s17 =	spop (v2sf);
	s18 =	sshra.s32 s4, $0x2;
	[sflag:s3] =	ssyncadd.s32 $0xFFFFF900  }
0xf7: {  	[hbm:s21@s29], [sflag:s24] =	dma.strided [spmem:s16@s29], $0x700, s28, $0x10   }
0xf8: {  	s19 =	sand.u32 $0x380, s0;
	s18 =	sadd.s32 s18, s2;
	s16 =	smul.u32 $0x70000, s26  }
0xf9: {  	s3 =	sshrl.u32 s25, $0x3;
	s26 =	sadd.s32 s19, s18;
	s18 =	smul.u32 $0x70000, s1  }
0xfa: {  	s4 =	sshll.u32 s22, $0x7;
	s11 =	smov.u32 s24;
	s19 =	smul.u32 $0x70000, s3  }
0xfb: {  	s21 =	sand.u32 $0x380, s4;
	s24 =	sadd.s32 $0x70, s5;
	s16 =	sshra.s32 s16, $0x2  }
0xfc: {  	s18 =	sshra.s32 s18, $0x2;
	s22 =	sshra.s32 s19, $0x2;
	s16 =	sadd.s32 s16, s2  }
0xfd: {  	s5 =	sadd.s32 s22, s2;
	s6 =	sadd.s32 s6, s16;
	s16 =	sadd.s32 s18, s2  }
0xfe: {  	s22 =	simm.s32 $0x0;
	s16 =	sadd.s32 s21, s16;
	s21 =	simm.s32 $0x20  }
.LBB2_2:
0xff: {  	s18 =	sshrl.u32 s17, $0x3  }
0x100: {  	s0 =	sshll.u32 s17, $0x7;
	s19 =	sshll.u32 s25, $0x7;
	s1 =	sshrl.u32 s23, $0x3  }
0x101: {  	s3 =	sshll.u32 s23, $0x7;
	_ =	swait.ge [sflag:s8], $0x700;
	s18 =	smul.u32 $0x70000, s18  }
0x102: {  	s6 =	sshrl.u32 s6, $0x3;
	s16 =	sshrl.u32 s16, $0x3;
	s25 =	smul.u32 $0x70000, s1  }
0x103: {  	s23 =	sand.u32 $0x380, s3;
	[sflag:s8] =	ssyncset.done $0x0;
	s17 =	sand.u32 $0x380, s0  }
0x104: {  	s0 =	rddreg [dreg:$0xa];
	[sflag:s8] =	ssyncadd.s32 $0xFFFFF900;
	s18 =	sshra.s32 s18, $0x2  }
0x105: {  	[hbm:s24@s29], [sflag:s0] =	dma.strided [spmem:s6@s29], $0x700, s28, $0x10   }
0x106: {  	s4 =	sshra.s32 s25, $0x2;
	s18 =	sadd.s32 s18, s2;
	_ =	swait.ge [sflag:s30], $0x700  }
0x107: {  	s6 =	sadd.s32 s4, s2;
	s18 =	sadd.s32 s17, s18;
	s8 =	rddreg [dreg:$0x5]  }
0x108: {  	[sflag:s30] =	ssyncset.done $0x0;
	s17 =	sadd.s32 s23, s6;
	s3 =	rddreg [dreg:$0xb]  }
0x109: {  	s23 =	sshrl.u32 s26, $0x3;
	[sflag:s30] =	ssyncadd.s32 $0xFFFFF900;
	s6 =	sadd.s32 s22, s8  }
0x10a: {  	s18 =	sshrl.u32 s18, $0x3;
	s17 =	sshrl.u32 s17, $0x3;
	s25 =	spop (v2sf)  }
0x10b: {  	s24 =	sadd.s32 $0x10, s6;
	s0 =	sshrl.u32 s25, $0x3;
	s30 =	spop (v2sf);
	(v2sf) =	vpush v0, $0xF  }
0x10c: {  	[hbm:s6@s29], [sflag:s3] =	dma.strided [spmem:s16@s29], $0x700, s28, $0x10   }
0x10d: {  	s1 =	smul.u32 $0x70000, s0;
	s3 =	sand.u32 $0x380, s19;
	_ =	swait.ge [sflag:s31], $0x700  }
0x10e: {  	s25 =	sshll.u32 s25, $0x7;
	s5 =	sadd.s32 s3, s5;
	[sflag:s31] =	ssyncset.done $0x0  }
0x10f: {  	s4 =	sshra.s32 s1, $0x2;
	s1 =	rddreg [dreg:$0xc];
	[sflag:s31] =	ssyncadd.s32 $0xFFFFF900  }
0x110: {  	[hbm:s24@s29], [sflag:s1] =	dma.strided [spmem:s18@s29], $0x700, s28, $0x10   }
0x111: {  	s8 =	sshrl.u32 s30, $0x3;
	s5 =	sshrl.u32 s5, $0x3;
	_ =	swait.ge [sflag:s7], $0x700  }
0x112: {  	s16 =	sadd.s32 s4, s2;
	s4 =	smul.u32 $0x70000, s8;
	[sflag:s7] =	ssyncset.done $0x0  }
0x113: {  	s8 =	rddreg [dreg:$0xd];
	[sflag:s7] =	ssyncadd.s32 $0xFFFFF900;
	s7 =	sadd.s32 $0x20, s6  }
0x114: {  	[hbm:s7@s29], [sflag:s8] =	dma.strided [spmem:s5@s29], $0x700, s28, $0x10   }
0x115: {  	s22 =	sadd.s32 $0x30, s6;
	s25 =	sand.u32 $0x380, s25;
	_ =	swait.ge [sflag:s12], $0x700  }
0x116: {  	s19 =	sshll.u32 s30, $0x7;
	s16 =	sadd.s32 s25, s16;
	[sflag:s12] =	ssyncset.done $0x0  }
0x117: {  	s1 =	sadd.s32 $0x40, s6;
	s24 =	rddreg [dreg:$0x12];
	[sflag:s12] =	ssyncadd.s32 $0xFFFFF900  }
0x118: {  	[hbm:s22@s29], [sflag:s24] =	dma.strided [spmem:s23@s29], $0x700, s28, $0x10   }
0x119: {  	s18 =	sshra.s32 s4, $0x2;
	s16 =	sshrl.u32 s16, $0x3;
	_ =	swait.ge [sflag:s13], $0x700  }
0x11a: {  	s5 =	sadd.s32 s18, s2;
	s18 =	sand.u32 $0x380, s19;
	[sflag:s13] =	ssyncset.done $0x0  }
0x11b: {  	s25 =	spop (v2sf);
	s3 =	rddreg [dreg:$0x11];
	[sflag:s13] =	ssyncadd.s32 $0xFFFFF900  }
0x11c: {  	[hbm:s1@s29], [sflag:s3] =	dma.strided [spmem:s17@s29], $0x700, s28, $0x10   }
0x11d: {  	s7 =	sadd.s32 $0x50, s6;
	s5 =	sadd.s32 s18, s5;
	_ =	swait.ge [sflag:s14], $0x700  }
0x11e: {  	s19 =	simm.s32 $0xF;
	s5 =	sshrl.u32 s5, $0x3;
	[sflag:s14] =	ssyncset.done $0x0  }
0x11f: {  	s26 =	sshrl.u32 s25, $0x3;
	s8 =	rddreg [dreg:$0xf];
	[sflag:s14] =	ssyncadd.s32 $0xFFFFF900  }
0x120: {  	[hbm:s7@s29], [sflag:s8] =	dma.strided [spmem:s16@s29], $0x700, s28, $0x10   }
0x121: {  	s18 =	sshll.u32 s25, $0x7;
	s4 =	smul.u32 $0x70000, s26;
	_ =	swait.ge [sflag:s19], $0x700  }
0x122: {  	s25 =	sadd.s32 $0x60, s6;
	s1 =	simm.s32 $0x10;
	[sflag:s19] =	ssyncset.done $0x0  }
0x123: {  	s23 =	sshra.s32 s4, $0x2;
	s26 =	rddreg [dreg:$0xe];
	[sflag:s19] =	ssyncadd.s32 $0xFFFFF900  }
0x124: {  	[hbm:s25@s29], [sflag:s26] =	dma.strided [spmem:s5@s29], $0x700, s28, $0x10   }
0x125: {  	s24 =	sand.u32 $0x380, s18;
	s16 =	sadd.s32 s23, s2;
	_ =	swait.ge [sflag:s1], $0x700  }
0x126: {  	s6 =	sadd.s32 $0x70, s6;
	s3 =	sadd.s32 s24, s16;
	[sflag:s1] =	ssyncset.done $0x0  }
0x127: {  	s5 =	sshrl.u32 s3, $0x3;
	s4 =	rddreg [dreg:$0x10];
	[sflag:s1] =	ssyncadd.s32 $0xFFFFF900  }
0x128: {  	[hbm:s6@s29], [sflag:s4] =	dma.strided [spmem:s5@s29], $0x700, s28, $0x10   }
0x129: {  	v0 =	vld [tilespmem:s21+$0x0];
	_ =	sdelay $0x3  }
0x12a: {  	_ =	swait.ge [sflag:s28], $0x700  }
0x12b: {  	(v2sf) =	vpush v0, $0x2  }
0x12c: {  	(v2sf) =	vpush v0, $0x1;
	_ =	sdelay $0x1  }
0x12d: {  	(v2sf) =	vpush v0, $0x0;
	_ =	sdelay $0x1  }
0x12e: {  	(v2sf) =	vpush v0, $0x3;
	_ =	sdelay $0x1  }
0x12f: {  	(v2sf) =	vpush v0, $0x7  }
0x130: {  	(v2sf) =	vpush v0, $0x5;
	_ =	sdelay $0x3  }
0x131: {  	p0 =	sne.s32 s20, $0x62000;
	s22 =	smov.u32 s20;
	s6 =	rddreg [dreg:$0x6]  }
0x132: {  	s20 =	sadd.s32 $0x7000, s20;
	[sflag:s28] =	ssyncset.done $0x0;
	s6 =	sadd.s32 s22, s6  }
0x133: {  	s21 =	sadd.s32 $0x10, s21;
	[sflag:s28] =	ssyncadd.s32 $0xFFFFF900;
	s25 =	sadd.s32 $0x10, s6  }
0x134: {  	s5 =	sadd.s32 $0x20, s6;
	s16 =	sadd.s32 $0x50, s6;
	s7 =	spop (v2sf)  }
0x135: {  	s24 =	sadd.s32 $0x70, s6;
	s8 =	sshrl.u32 s7, $0x3;
	s0 =	spop (v2sf)  }
0x136: {  	(v2sf) =	vpush v0, $0xC;
	s17 =	sshll.u32 s7, $0x7;
	s1 =	sshrl.u32 s0, $0x3;
	s19 =	sshll.u32 s0, $0x7  }
0x137: {  	s3 =	spop (v2sf);
	s18 =	smul.u32 $0x70000, s8;
	s17 =	sand.u32 $0x380, s17  }
0x138: {  	s8 =	simm.s32 $0x2;
	s30 =	sshll.u32 s3, $0x7;
	s23 =	smul.u32 $0x70000, s1  }
0x139: {  	s19 =	sand.u32 $0x380, s19;
	s26 =	sshrl.u32 s3, $0x3;
	s31 =	spop (v2sf)  }
0x13a: {  	(v2sf) =	vpush v0, $0x4;
	s30 =	sand.u32 $0x380, s30;
	s4 =	smul.u32 $0x70000, s26;
	s26 =	sadd.s32 $0x30, s6  }
0x13b: {  	(v2sf) =	vpush v0, $0x6;
	s1 =	spop (v2sf);
	s18 =	sshra.s32 s18, $0x2;
	s7 =	sshrl.u32 s31, $0x3  }
0x13c: {  	s23 =	sshra.s32 s23, $0x2;
	s3 =	spop (v2sf);
	s18 =	sadd.s32 s18, s2  }
0x13d: {  	s23 =	sadd.s32 s23, s2;
	s0 =	sshra.s32 s4, $0x2;
	s4 =	rddreg [dreg:$0x7]  }
0x13e: {  	s23 =	sadd.s32 s19, s23;
	s0 =	sadd.s32 s0, s2;
	s19 =	sshll.u32 s3, $0x7  }
0x13f: {  	(v2sf) =	vpush v0, $0xA;
	s3 =	sshrl.u32 s3, $0x3;
	s0 =	sadd.s32 s30, s0;
	s30 =	sadd.s32 s17, s18  }
0x140: {  	s18 =	smul.u32 $0x70000, s7;
	s7 =	sshll.u32 s31, $0x7;
	s31 =	sshrl.u32 s23, $0x3  }
0x141: {  	s3 =	smul.u32 $0x70000, s3;
	s19 =	sand.u32 $0x380, s19;
	s0 =	sshrl.u32 s0, $0x3  }
0x142: {  	[hbm:s6@s29], [sflag:s4] =	dma.strided [spmem:s0@s29], $0x700, s28, $0x10   }
0x143: {  	s17 =	sand.u32 $0x380, s7;
	s0 =	sshra.s32 s18, $0x2;
	s3 =	sshra.s32 s3, $0x2  }
0x144: {  	_ =	swait.ge [sflag:s8], $0x700;
	s0 =	sadd.s32 s0, s2;
	s3 =	sadd.s32 s3, s2  }
0x145: {  	(v2sf) =	vpush v0, $0xB;
	[sflag:s8] =	ssyncset.done $0x0;
	s23 =	spop (v2sf);
	s0 =	sadd.s32 s17, s0  }
0x146: {  	s3 =	sadd.s32 s19, s3;
	s19 =	simm.s32 $0x5;
	[sflag:s8] =	ssyncadd.s32 $0xFFFFF900  }
0x147: {  	s8 =	sshrl.u32 s1, $0x3;
	s1 =	sshll.u32 s1, $0x7;
	s0 =	sshrl.u32 s0, $0x3  }
0x148: {  	s3 =	sshrl.u32 s3, $0x3;
	s18 =	smul.u32 $0x70000, s8;
	s17 =	sand.u32 $0x380, s1  }
0x149: {  	s1 =	sshrl.u32 s30, $0x3;
	s8 =	rddreg [dreg:$0x8];
	s30 =	spop (v2sf)  }
0x14a: {  	s4 =	sshrl.u32 s30, $0x3;
	s30 =	sshll.u32 s30, $0x7;
	s7 =	spop (v2sf)  }
0x14b: {  	[hbm:s25@s29], [sflag:s8] =	dma.strided [spmem:s31@s29], $0x700, s28, $0x10   }
0x14c: {  	s8 =	simm.s32 $0x3;
	s4 =	smul.u32 $0x70000, s4;
	s31 =	sshrl.u32 s7, $0x3  }
0x14d: {  	s30 =	sand.u32 $0x380, s30;
	_ =	swait.ge [sflag:s8], $0x700;
	s31 =	smul.u32 $0x70000, s31  }
0x14e: {  	[sflag:s8] =	ssyncset.done $0x0;
	s25 =	spop (v2sf);
	s4 =	sshra.s32 s4, $0x2  }
0x14f: {  	(v2sf) =	vpush v0, $0x8;
	[sflag:s8] =	ssyncadd.s32 $0xFFFFF900;
	s8 =	rddreg [dreg:$0x9];
	s4 =	sadd.s32 s4, s2  }
0x150: {  	[hbm:s5@s29], [sflag:s8] =	dma.strided [spmem:s1@s29], $0x700, s28, $0x10   }
0x151: {  	s5 =	sshra.s32 s31, $0x2;
	s31 =	simm.s32 $0xA;
	s8 =	sshll.u32 s7, $0x7  }
0x152: {  	s1 =	sadd.s32 s30, s4;
	s30 =	simm.s32 $0x9;
	s7 =	simm.s32 $0x4  }
0x153: {  	s4 =	sadd.s32 s5, s2;
	s5 =	sand.u32 $0x380, s8;
	_ =	swait.ge [sflag:s7], $0x700  }
0x154: {  	s4 =	sadd.s32 s5, s4;
	[sflag:s7] =	ssyncset.done $0x0;
	s5 =	spop (v2sf)  }
0x155: {  	s1 =	sshrl.u32 s1, $0x3;
	[sflag:s7] =	ssyncadd.s32 $0xFFFFF900;
	(v2sf) =	vpush v0, $0x9;
	s8 =	sshrl.u32 s5, $0x3  }
0x156: {  	[hbm:s26@s29], [sflag:s15] =	dma.strided [spmem:s0@s29], $0x700, s28, $0x10   }
0x157: {  	s0 =	sadd.s32 $0x40, s6;
	s26 =	sshrl.u32 s25, $0x3;
	_ =	swait.ge [sflag:s19], $0x700  }
0x158: {  	s7 =	smul.u32 $0x70000, s8;
	s8 =	simm.s32 $0x6;
	[sflag:s19] =	ssyncset.done $0x0  }
0x159: {  	[sflag:s19] =	ssyncadd.s32 $0xFFFFF900;
	s19 =	smul.u32 $0x70000, s26;
	s26 =	sshll.u32 s5, $0x7  }
0x15a: {  	[hbm:s0@s29], [sflag:s9] =	dma.strided [spmem:s1@s29], $0x700, s28, $0x10   }
0x15b: {  	s4 =	sshrl.u32 s4, $0x3;
	s26 =	sand.u32 $0x380, s26;
	_ =	swait.ge [sflag:s8], $0x700  }
0x15c: {  	s5 =	sshra.s32 s19, $0x2;
	s19 =	sshra.s32 s7, $0x2;
	[sflag:s8] =	ssyncset.done $0x0  }
0x15d: {  	s5 =	sadd.s32 s5, s2;
	s7 =	sadd.s32 s19, s2;
	s19 =	sshra.s32 s18, $0x2  }
0x15e: {  	[sflag:s8] =	ssyncadd.s32 $0xFFFFF900;
	s8 =	simm.s32 $0x8;
	s18 =	spop (v2sf)  }
0x15f: {  	s26 =	sadd.s32 s26, s7;
	s1 =	sadd.s32 s19, s2;
	(v2sf) =	vpush v0, $0xD;
	s19 =	sshrl.u32 s18, $0x3  }
0x160: {  	s0 =	sshll.u32 s18, $0x7;
	s18 =	sadd.s32 $0x60, s6;
	(v2sf) =	vpush v0, $0xE;
	s7 =	smul.u32 $0x70000, s19  }
0x161: {  	[hbm:s16@s29], [sflag:s10] =	dma.strided [spmem:s3@s29], $0x700, s28, $0x10   }
.Ltmp0:
0x162: {  	s6 =	sadd.s32 s17, s1;
	s16 =	simm.s32 $0x7;
	(pc) =	sbr.rel @p0 .LBB2_2-.Ltmp0, $4  }
0x163: {  	s0 =	sand.u32 $0x380, s0;
	_ =	swait.ge [sflag:s16], $0x700;
	s19 =	sshra.s32 s7, $0x2  }
0x164: {  	s7 =	simm.s32 $0xB;
	[sflag:s16] =	ssyncset.done $0x0;
	s1 =	sadd.s32 s19, s2  }
0x165: {  	[sflag:s16] =	ssyncadd.s32 $0xFFFFF900;
	s16 =	sadd.s32 s0, s1;
	s17 =	spop (v2sf)  }
0x166: {  	[hbm:s18@s29], [sflag:s11] =	dma.strided [spmem:s4@s29], $0x700, s28, $0x10   }
0x167: {  	_ =	swait.ge [sflag:s8], $0x700  }
0x168: {  	s0 =	sshrl.u32 s6, $0x3;
	s18 =	sshrl.u32 s17, $0x3;
	[sflag:s8] =	ssyncset.done $0x0  }
0x169: {  	s4 =	sshrl.u32 s16, $0x3;
	s1 =	rddreg [dreg:$0xa];
	[sflag:s8] =	ssyncadd.s32 $0xFFFFF900  }
0x16a: {  	[hbm:s24@s29], [sflag:s1] =	dma.strided [spmem:s0@s29], $0x700, s28, $0x10   }
0x16b: {  	s19 =	sshll.u32 s17, $0x7;
	s1 =	smul.u32 $0x70000, s18;
	_ =	swait.ge [sflag:s30], $0x700  }
0x16c: {  	s10 =	sshll.u32 s23, $0x7;
	s15 =	rddreg [dreg:$0x5];
	[sflag:s30] =	ssyncset.done $0x0  }
0x16d: {  	s9 =	rddreg [dreg:$0xb];
	s1 =	sshra.s32 s1, $0x2;
	[sflag:s30] =	ssyncadd.s32 $0xFFFFF900  }
0x16e: {  	s6 =	sadd.s32 s22, s15;
	s1 =	sadd.s32 s1, s2;
	s22 =	sshll.u32 s25, $0x7  }
0x16f: {  	s3 =	spop (v2sf);
	s20 =	sadd.s32 $0x10, s6;
	s24 =	sadd.s32 $0x20, s6  }
0x170: {  	(v2sf) =	vpush v0, $0xF;
	s15 =	sadd.s32 $0x40, s6;
	s0 =	spop (v2sf);
	s11 =	sshrl.u32 s3, $0x3  }
0x171: {  	[hbm:s6@s29], [sflag:s9] =	dma.strided [spmem:s4@s29], $0x700, s28, $0x10   }
0x172: {  	s17 =	sshll.u32 s3, $0x7;
	s4 =	sand.u32 $0x380, s19;
	s19 =	sshrl.u32 s0, $0x3  }
0x173: {  	s0 =	sshll.u32 s0, $0x7;
	_ =	swait.ge [sflag:s31], $0x700;
	s1 =	sadd.s32 s4, s1  }
0x174: {  	s4 =	sshrl.u32 s23, $0x3;
	s0 =	sand.u32 $0x380, s0;
	[sflag:s31] =	ssyncset.done $0x0  }
0x175: {  	s1 =	sshrl.u32 s1, $0x3;
	s21 =	rddreg [dreg:$0xc];
	[sflag:s31] =	ssyncadd.s32 $0xFFFFF900  }
0x176: {  	[hbm:s20@s29], [sflag:s21] =	dma.strided [spmem:s1@s29], $0x700, s28, $0x10   }
0x177: {  	s1 =	sand.u32 $0x380, s22;
	s20 =	smul.u32 $0x70000, s19;
	_ =	swait.ge [sflag:s7], $0x700  }
0x178: {  	s21 =	sadd.s32 $0x50, s6;
	s1 =	sadd.s32 s1, s5;
	[sflag:s7] =	ssyncset.done $0x0  }
0x179: {  	s1 =	sshrl.u32 s1, $0x3;
	s25 =	rddreg [dreg:$0xd];
	[sflag:s7] =	ssyncadd.s32 $0xFFFFF900  }
0x17a: {  	[hbm:s24@s29], [sflag:s25] =	dma.strided [spmem:s1@s29], $0x700, s28, $0x10   }
0x17b: {  	s5 =	sadd.s32 $0x30, s6;
	s23 =	sshra.s32 s20, $0x2;
	s1 =	smul.u32 $0x70000, s4  }
0x17c: {  	s7 =	sshrl.u32 s26, $0x3;
	s4 =	sand.u32 $0x380, s10;
	_ =	swait.ge [sflag:s12], $0x700  }
0x17d: {  	s25 =	simm.s32 $0xF;
	[sflag:s12] =	ssyncset.done $0x0;
	s1 =	sshra.s32 s1, $0x2  }
0x17e: {  	s9 =	rddreg [dreg:$0x12];
	[sflag:s12] =	ssyncadd.s32 $0xFFFFF900;
	s1 =	sadd.s32 s1, s2  }
0x17f: {  	[hbm:s5@s29], [sflag:s9] =	dma.strided [spmem:s7@s29], $0x700, s28, $0x10   }
0x180: {  	s1 =	sadd.s32 s4, s1;
	s4 =	smul.u32 $0x70000, s11;
	_ =	swait.ge [sflag:s13], $0x700  }
0x181: {  	s10 =	sadd.s32 $0x60, s6;
	s1 =	sshrl.u32 s1, $0x3;
	s5 =	spop (v2sf)  }
0x182: {  	[sflag:s13] =	ssyncset.done $0x0;
	s16 =	rddreg [dreg:$0x11];
	s18 =	sshra.s32 s4, $0x2  }
0x183: {  	[sflag:s13] =	ssyncadd.s32 $0xFFFFF900;
	s3 =	sadd.s32 s18, s2;
	s24 =	sshrl.u32 s5, $0x3  }
0x184: {  	[hbm:s15@s29], [sflag:s16] =	dma.strided [spmem:s1@s29], $0x700, s28, $0x10   }
0x185: {  	s1 =	sand.u32 $0x380, s17;
	s26 =	smul.u32 $0x70000, s24;
	_ =	swait.ge [sflag:s14], $0x700  }
0x186: {  	s15 =	sshll.u32 s5, $0x7;
	s1 =	sadd.s32 s1, s3;
	[sflag:s14] =	ssyncset.done $0x0  }
0x187: {  	s1 =	sshrl.u32 s1, $0x3;
	s22 =	rddreg [dreg:$0xf];
	[sflag:s14] =	ssyncadd.s32 $0xFFFFF900  }
0x188: {  	[hbm:s21@s29], [sflag:s22] =	dma.strided [spmem:s1@s29], $0x700, s28, $0x10   }
0x189: {  	s16 =	simm.s32 $0x10;
	s1 =	sadd.s32 s23, s2;
	_ =	swait.ge [sflag:s25], $0x700  }
0x18a: {  	s0 =	sadd.s32 s0, s1;
	s1 =	sshra.s32 s26, $0x2;
	[sflag:s25] =	ssyncset.done $0x0  }
0x18b: {  	s0 =	sshrl.u32 s0, $0x3;
	s11 =	rddreg [dreg:$0xe];
	[sflag:s25] =	ssyncadd.s32 $0xFFFFF900  }
0x18c: {  	[hbm:s10@s29], [sflag:s11] =	dma.strided [spmem:s0@s29], $0x700, s28, $0x10   }
0x18d: {  	s1 =	sadd.s32 s1, s2;
	s0 =	sand.u32 $0x380, s15;
	_ =	swait.ge [sflag:s16], $0x700  }
0x18e: {  	s17 =	sadd.s32 $0x70, s6;
	s0 =	sadd.s32 s0, s1;
	[sflag:s16] =	ssyncset.done $0x0  }
0x18f: {  	s0 =	sshrl.u32 s0, $0x3;
	s18 =	rddreg [dreg:$0x10];
	[sflag:s16] =	ssyncadd.s32 $0xFFFFF900  }
0x190: {  	[hbm:s17@s29], [sflag:s18] =	dma.strided [spmem:s0@s29], $0x700, s28, $0x10   }
0x191: {  	_ =	swait.ge [sflag:s28], $0x700  }
0x192: {  	[sflag:s28] =	ssyncset.done $0x0  }
0x193: {  	s19 =	simm.s32 $0x2;
	[sflag:s28] =	ssyncadd.s32 $0xFFFFF900  }
0x194: {  	_ =	swait.ge [sflag:s19], $0x700  }
0x195: {  	[sflag:s19] =	ssyncset.done $0x0  }
0x196: {  	s20 =	simm.s32 $0x3;
	[sflag:s19] =	ssyncadd.s32 $0xFFFFF900  }
0x197: {  	_ =	swait.ge [sflag:s20], $0x700  }
0x198: {  	[sflag:s20] =	ssyncset.done $0x0  }
0x199: {  	s21 =	simm.s32 $0x4;
	[sflag:s20] =	ssyncadd.s32 $0xFFFFF900  }
0x19a: {  	_ =	swait.ge [sflag:s21], $0x700  }
0x19b: {  	[sflag:s21] =	ssyncset.done $0x0  }
0x19c: {  	s22 =	simm.s32 $0x5;
	[sflag:s21] =	ssyncadd.s32 $0xFFFFF900  }
0x19d: {  	_ =	swait.ge [sflag:s22], $0x700  }
0x19e: {  	[sflag:s22] =	ssyncset.done $0x0  }
0x19f: {  	s23 =	simm.s32 $0x6;
	[sflag:s22] =	ssyncadd.s32 $0xFFFFF900  }
0x1a0: {  	_ =	swait.ge [sflag:s23], $0x700  }
0x1a1: {  	[sflag:s23] =	ssyncset.done $0x0  }
0x1a2: {  	s24 =	simm.s32 $0x7;
	[sflag:s23] =	ssyncadd.s32 $0xFFFFF900  }
0x1a3: {  	_ =	swait.ge [sflag:s24], $0x700  }
0x1a4: {  	[sflag:s24] =	ssyncset.done $0x0  }
0x1a5: {  	[sflag:s24] =	ssyncadd.s32 $0xFFFFF900  }
0x1a6: {  	_ =	swait.ge [sflag:s8], $0x700  }
0x1a7: {  	[sflag:s8] =	ssyncset.done $0x0  }
0x1a8: {  	[sflag:s8] =	ssyncadd.s32 $0xFFFFF900  }
0x1a9: {  	_ =	swait.ge [sflag:s30], $0x700  }
0x1aa: {  	[sflag:s30] =	ssyncset.done $0x0  }
0x1ab: {  	[sflag:s30] =	ssyncadd.s32 $0xFFFFF900  }
0x1ac: {  	_ =	swait.ge [sflag:s31], $0x700  }
0x1ad: {  	[sflag:s31] =	ssyncset.done $0x0  }
0x1ae: {  	s7 =	simm.s32 $0xB;
	[sflag:s31] =	ssyncadd.s32 $0xFFFFF900  }
0x1af: {  	_ =	swait.ge [sflag:s7], $0x700  }
0x1b0: {  	[sflag:s7] =	ssyncset.done $0x0  }
0x1b1: {  	[sflag:s7] =	ssyncadd.s32 $0xFFFFF900  }
0x1b2: {  	_ =	swait.ge [sflag:s12], $0x700  }
0x1b3: {  	[sflag:s12] =	ssyncset.done $0x0  }
0x1b4: {  	[sflag:s12] =	ssyncadd.s32 $0xFFFFF900  }
0x1b5: {  	_ =	swait.ge [sflag:s13], $0x700  }
0x1b6: {  	[sflag:s13] =	ssyncset.done $0x0  }
0x1b7: {  	[sflag:s13] =	ssyncadd.s32 $0xFFFFF900  }
0x1b8: {  	_ =	swait.ge [sflag:s14], $0x700  }
0x1b9: {  	[sflag:s14] =	ssyncset.done $0x0  }
0x1ba: {  	[sflag:s14] =	ssyncadd.s32 $0xFFFFF900  }
0x1bb: {  	_ =	swait.ge [sflag:s25], $0x700  }
0x1bc: {  	[sflag:s25] =	ssyncset.done $0x0  }
0x1bd: {  	[sflag:s25] =	ssyncadd.s32 $0xFFFFF900  }
0x1be: {  	_ =	swait.ge [sflag:s16], $0x700  }
0x1bf: {  	s25 =	sld [smem:$0x7F2]  }
0x1c0: {  	s26 =	sld [smem:$0x7FC];
	_ =	sdelay $0x1  }
0x1c1: {  	s1 =	sadd.s32 $0x1, s25  }
0x1c2: {  	p0 =	sne.s32 s1, s26  }
.Ltmp1:
0x1c3: {  	_ = 	snop;
	(pc) =	sbr.rel @p0 .LBB2_1-.Ltmp1, $3  }
0x1c4: {  	_ =	sdelay $0x1  }
0x1c5: {  	[sflag:s16] =	ssyncset.done $0x0  }
0x1c6: {  	s9 =	simm.s32 $0x10;
	[sflag:s16] =	ssyncadd.s32 $0xFFFFF900  }
0x1c7: {  	_ =	sfence.sel $0x180000  }
0x1c8: {  	[bflag:$0x0] =	sbarrier.arrive $0xFFFF  }
0x1c9: {  	_ =	strace $0x90000047  }
0x1ca: {  	s0 =	stileid.u32;
	[bflag:$0x2] =	sbarrier.arrive $0xFFFF  }
0x1cb: {  	p0 =	sne.s32 s0, $0x0;
	s0 =	rddreg [dreg:$0x4]  }
0x1cc: {  	s0 =	sadd.s32 @!p0 $0x100000, s0  }
0x1cd: {  	[sflag:s0] =	ssyncadd.tile.s32 @!p0 $0x1;
	_ =	shalt  }
.Lfunc_end2:
_tile_overlayer_lowered:
.L_overlay_start_2:
0x1ce: {  	(tag) =	ssettag $0x2  }
0x1cf: {  	s0 =	rddreg [dreg:$0x0];
	s2 =	stileid.u32  }
0x1d0: {  	s1 =	rddreg [dreg:$0x1];
	p0 =	sne.s32 s2, $0x0  }
0x1d1: {  	s3 =	rddreg [dreg:$0x2];
	[bflag:$0x3] =	sbarrier.arrive $0xFFFF;
	s2 =	simm.s32 @!p0 $0x1C11  }
0x1d2: {  	[timem:s3], [sflag:s2] =	dma.local @!p0 [hbm:s0], s1  }
0x1d3: {  	s0 =	simm.s32 @!p0 $0x11  }
0x1d4: {  	_ =	swait.ge @!p0 [sflag:s0], s1  }
0x1d5: {  	s1 =	ssub.s32 @!p0 $0x0, s1;
	[sflag:s0] =	ssyncset.done @!p0 $0x0  }
0x1d6: {  	[sflag:s0] =	ssyncadd.s32 @!p0 s1  }
0x1d7: {  	[bflag:$0x3] =	sbarrier.arrive $0xFFFF  }
0x1d8: {  	_ =	shalt  }

</sc_bundles>
